<compile_context>
chip_gen: v7x
topology: tpu7x:2x2x1
jax: 0.10.2.dev20260603
libtpu: 0.0.44.dev20260713+nightly
codegen_flags: <defaults>
</compile_context>

<pallas_src>
import functools

import jax
import jax.numpy as jnp
from jax import lax
from jax.experimental import pallas as pl
from jax.experimental.pallas import tpu as pltpu
from jax.experimental.pallas import tpu_sc as plsc

NN = 10000
DD = 128
FF = 16
NC = 2
NS = 16
LL = 16
NW = NC * NS
NP = 10240
RPT = NP // NS
CH = 128

_mesh = plsc.VectorSubcoreMesh(core_axis_name="c", subcore_axis_name="s")


def _make_deg_kernel(K):

    @functools.partial(
        pl.kernel,
        out_type=jax.ShapeDtypeStruct((NC, NP), jnp.float32),
        mesh=_mesh,
        scratch_types=(
            pltpu.VMEM((K, CH), jnp.int32),
            pltpu.VMEM((CH,), jnp.float32),
            pltpu.VMEM((RPT,), jnp.float32),
            pltpu.VMEM_SHARED((NP,), jnp.float32),
        ),
    )
    def deg_kernel(dst_hbm, out_hbm, dst_v, ones_v, zero_v, deg_sh):
        c = lax.axis_index("c")
        s = lax.axis_index("s")
        wid = s * NC + c
        for i in range(CH // LL):
            ones_v[pl.ds(i * LL, LL)] = jnp.full((LL,), 1.0, jnp.float32)

        def zbody(i, carry):
            zero_v[pl.ds(i * LL, LL)] = jnp.zeros((LL,), jnp.float32)
            return carry

        lax.fori_loop(0, RPT // LL, zbody, 0)
        pltpu.sync_copy(zero_v, deg_sh.at[pl.ds(s * RPT, RPT)])
        pltpu.sync_copy(dst_hbm.at[wid], dst_v)
        plsc.subcore_barrier()

        def body(j, carry):
            pltpu.sync_copy(ones_v, deg_sh.at[dst_v.at[j]], add=True)
            return carry

        lax.fori_loop(0, K, body, 0)
        plsc.subcore_barrier()
        pltpu.sync_copy(deg_sh.at[pl.ds(s * RPT, RPT)],
                        out_hbm.at[c, pl.ds(s * RPT, RPT)])

    return deg_kernel


def _make_prop_kernel(K):

    @functools.partial(
        pl.kernel,
        out_type=jax.ShapeDtypeStruct((NC, NP, FF), jnp.float32),
        mesh=_mesh,
        scratch_types=(
            pltpu.VMEM((K, CH), jnp.int32),
            pltpu.VMEM((K, CH), jnp.int32),
            pltpu.VMEM((CH, FF), jnp.float32),
            pltpu.VMEM((CH, FF), jnp.float32),
            pltpu.VMEM((RPT, FF), jnp.float32),
            pltpu.VMEM_SHARED((NP, FF), jnp.float32),
            pltpu.SemaphoreType.DMA,
            pltpu.SemaphoreType.DMA,
        ),
        compiler_params=pltpu.CompilerParams(use_tc_tiling_on_sc=False),
    )
    def prop_kernel(y_hbm, src_hbm, dst_hbm, out_hbm,
                    src_v, dst_v, rows0_v, rows1_v, zero_v, acc_sh,
                    sem0, sem1):
        c = lax.axis_index("c")
        s = lax.axis_index("s")
        wid = s * NC + c

        def zbody(i, carry):
            zero_v[i, :] = jnp.zeros((FF,), jnp.float32)
            return carry

        lax.fori_loop(0, RPT, zbody, 0)
        pltpu.sync_copy(zero_v, acc_sh.at[pl.ds(s * RPT, RPT)])
        pltpu.sync_copy(src_hbm.at[wid], src_v)
        pltpu.sync_copy(dst_hbm.at[wid], dst_v)
        plsc.subcore_barrier()

        pltpu.async_copy(y_hbm.at[src_v.at[0]], rows0_v, sem0)

        def body(o, carry):
            j0 = 2 * o
            j1 = j0 + 1
            pltpu.make_async_copy(y_hbm.at[src_v.at[j0]], rows0_v, sem0).wait()
            pltpu.async_copy(y_hbm.at[src_v.at[j1]], rows1_v, sem1)
            pltpu.sync_copy(rows0_v, acc_sh.at[dst_v.at[j0]], add=True)
            pltpu.make_async_copy(y_hbm.at[src_v.at[j1]], rows1_v, sem1).wait()

            @pl.when(o + 1 < K // 2)
            def _():
                pltpu.async_copy(y_hbm.at[src_v.at[j0 + 2]], rows0_v, sem0)

            pltpu.sync_copy(rows1_v, acc_sh.at[dst_v.at[j1]], add=True)
            return carry

        lax.fori_loop(0, K // 2, body, 0)
        plsc.subcore_barrier()
        pltpu.sync_copy(acc_sh.at[pl.ds(s * RPT, RPT)],
                        out_hbm.at[c, pl.ds(s * RPT, RPT)])

    return prop_kernel



BR2 = 1024
BR6 = 400
BRB = 200


def _mm1_body(x_ref, w1_ref, xw_ref):
    xw_ref[...] = jnp.dot(x_ref[...], w1_ref[...],
                          preferred_element_type=jnp.float32)


_mm1_call = pl.pallas_call(
    _mm1_body,
    grid=(NP // BR2,),
    in_specs=[
        pl.BlockSpec((BR2, DD), lambda i: (i, 0)),
        pl.BlockSpec((DD, FF), lambda i: (0, 0)),
    ],
    out_specs=pl.BlockSpec((BR2, FF), lambda i: (i, 0)),
    out_shape=jax.ShapeDtypeStruct((NP, FF), jnp.float32),
)


def _scale1_body(deg_ref, xw_ref, y1_ref):
    deg = deg_ref[:, 0:1] + deg_ref[:, 1:2] + 1.0
    dinv = lax.rsqrt(deg)
    y1_ref[...] = xw_ref[...] * dinv


_scale1_call = pl.pallas_call(
    _scale1_body,
    grid=(NP // BR2,),
    in_specs=[
        pl.BlockSpec((BR2, NC), lambda i: (i, 0)),
        pl.BlockSpec((BR2, FF), lambda i: (i, 0)),
    ],
    out_specs=pl.BlockSpec((BR2, FF), lambda i: (i, 0)),
    out_shape=jax.ShapeDtypeStruct((NP, FF), jnp.float32),
)


def _l2_body(acc_ref, deg_ref, xw_ref, b1_ref, w2_ref, y2_ref, hw2_ref):
    deg = deg_ref[:, 0:1] + deg_ref[:, 1:2] + 1.0
    dinv = lax.rsqrt(deg)
    accsum = acc_ref[0] + acc_ref[1]
    h = jnp.maximum(dinv * accsum + (dinv * dinv) * xw_ref[...] + b1_ref[...], 0.0)
    hw2 = jnp.dot(h, w2_ref[...], preferred_element_type=jnp.float32)
    hw2_ref[...] = hw2
    y2_ref[...] = hw2 * dinv


_l2_call = pl.pallas_call(
    _l2_body,
    grid=(NP // BR2,),
    in_specs=[
        pl.BlockSpec((NC, BR2, FF), lambda i: (0, i, 0)),
        pl.BlockSpec((BR2, NC), lambda i: (i, 0)),
        pl.BlockSpec((BR2, FF), lambda i: (i, 0)),
        pl.BlockSpec((1, FF), lambda i: (0, 0)),
        pl.BlockSpec((FF, FF), lambda i: (0, 0)),
    ],
    out_specs=[
        pl.BlockSpec((BR2, FF), lambda i: (i, 0)),
        pl.BlockSpec((BR2, FF), lambda i: (i, 0)),
    ],
    out_shape=[
        jax.ShapeDtypeStruct((NP, FF), jnp.float32),
        jax.ShapeDtypeStruct((NP, FF), jnp.float32),
    ],
)


def _zlogp_body(acc_ref, deg_ref, hw2_ref, b2_ref, z_ref, logp_ref):
    deg = deg_ref[:, 0:1] + deg_ref[:, 1:2] + 1.0
    dinv = lax.rsqrt(deg)
    accsum = acc_ref[0] + acc_ref[1]
    z = dinv * accsum + (dinv * dinv) * hw2_ref[...] + b2_ref[...]
    z_ref[...] = z
    zmax = jnp.max(z, axis=1, keepdims=True)
    ez = jnp.exp(z - zmax)
    lse = jnp.log(jnp.sum(ez, axis=1, keepdims=True)) + zmax
    logp_ref[...] = z - lse


_zlogp_call = pl.pallas_call(
    _zlogp_body,
    grid=(NN // BR6,),
    in_specs=[
        pl.BlockSpec((NC, BR6, FF), lambda i: (0, i, 0)),
        pl.BlockSpec((BR6, NC), lambda i: (i, 0)),
        pl.BlockSpec((BR6, FF), lambda i: (i, 0)),
        pl.BlockSpec((1, FF), lambda i: (0, 0)),
    ],
    out_specs=[
        pl.BlockSpec((BR6, FF), lambda i: (i, 0)),
        pl.BlockSpec((BR6, FF), lambda i: (i, 0)),
    ],
    out_shape=[
        jax.ShapeDtypeStruct((NN, FF), jnp.float32),
        jax.ShapeDtypeStruct((NN, FF), jnp.float32),
    ],
)


def _decoder_body(zr_ref, za_ref, out_ref):
    out_ref[...] = lax.dot_general(
        zr_ref[...], za_ref[...],
        dimension_numbers=(((1,), (1,)), ((), ())),
        preferred_element_type=jnp.float32,
    )


_decoder_call = pl.pallas_call(
    _decoder_body,
    grid=(NN // BRB,),
    in_specs=[
        pl.BlockSpec((BRB, FF), lambda i: (i, 0)),
        pl.BlockSpec((NN, FF), lambda i: (0, 0)),
    ],
    out_specs=pl.BlockSpec((BRB, NN), lambda i: (i, 0)),
    out_shape=jax.ShapeDtypeStruct((NN, NN), jnp.float32),
)


def kernel(x, edge_index, W1, b1, W2, b2):
    E = edge_index.shape[1]
    epw = -(-E // NW)
    K = -(-epw // CH)
    K += K % 2
    EP = NW * K * CH
    pad = EP - E

    src = edge_index[0]
    dst = edge_index[1]
    padidx = NN + (jnp.arange(pad, dtype=jnp.int32) % (NP - NN))
    src_p = jnp.concatenate([src, padidx]).reshape(NW, K, CH)
    dst_p = jnp.concatenate([dst, padidx]).reshape(NW, K, CH)
    x_pad = jnp.pad(x, ((0, NP - NN), (0, 0)))

    deg_call = _make_deg_kernel(K)
    prop_call = _make_prop_kernel(K)

    degp = deg_call(dst_p)
    degp_t = degp.T
    xw1 = _mm1_call(x_pad, W1)
    y1 = _scale1_call(degp_t, xw1)
    acc1 = prop_call(y1, src_p, dst_p)
    y2, hw2 = _l2_call(acc1, degp_t, xw1, b1.reshape(1, FF), W2)
    acc2 = prop_call(y2, src_p, dst_p)
    z, logp = _zlogp_call(acc2, degp_t, hw2, b2.reshape(1, FF))
    x_product = _decoder_call(z, z)
    return (logp, x_product)

# --- scband reference (transcript-rebuilt; emitter-appended) ---
"""Pipeline reference for scband-net-42322607735202 (READ-ONLY COPY).

The authoritative reference and input builder live on the scoring server;
editing this copy changes nothing except your own understanding.
"""

import jax, jax.numpy as jnp
import numpy as np

N = 10000
D = 128
H = 16
C = 16
E = 160000

def setup_inputs(seed: int = 0) -> dict:
    key = jax.random.key(seed)
    k1, k2, k3, k4, k5, k6 = jax.random.split(key, 6)
    x = jax.random.normal(k1, (N, D), dtype=jnp.float32)
    edge_index = jax.random.randint(k2, (2, E), 0, N, dtype=jnp.int32)
    W1 = jax.random.normal(k3, (D, H), dtype=jnp.float32) * (1.0 / np.sqrt(D))
    b1 = jnp.zeros((H,), dtype=jnp.float32)
    W2 = jax.random.normal(k4, (H, C), dtype=jnp.float32) * (1.0 / np.sqrt(H))
    b2 = jnp.zeros((C,), dtype=jnp.float32)
    return {"x": x, "edge_index": edge_index, "W1": W1, "b1": b1, "W2": W2, "b2": b2}

def _gcn_conv(x, edge_index, W, b):
    n = x.shape[0]
    src = edge_index[0]
    dst = edge_index[1]
    loop = jnp.arange(n, dtype=src.dtype)
    src = jnp.concatenate([src, loop])
    dst = jnp.concatenate([dst, loop])
    deg = jnp.zeros((n,), dtype=x.dtype).at[dst].add(1.0)
    dinv = jnp.where(deg > 0, deg ** -0.5, 0.0)
    norm = dinv[src] * dinv[dst]
    xw = x @ W
    msg = xw[src] * norm[:, None]
    out = jnp.zeros((n, W.shape[1]), dtype=x.dtype).at[dst].add(msg)
    return out + b

def reference(x, edge_index, W1, b1, W2, b2):
    h = _gcn_conv(x, edge_index, W1, b1)
    h = jax.nn.relu(h)
    # F.dropout with training=False is identity (eval mode)
    z = _gcn_conv(h, edge_index, W2, b2)
    logp = jax.nn.log_softmax(z, axis=1)
    x_product = z @ z.T  # InnerProductDecoder with identity act
    return (logp, x_product)

if __name__ == "__main__":
    import jax
    _d = setup_inputs()
    print(jax.jit(kernel)(*tuple(_d.values())))

</pallas_src>

<mosaic_0001>
#map = affine_map<(d0, d1) -> (0, 0)>
#map1 = affine_map<(d0, d1) -> (0, 0, 0)>
module attributes {stable_mosaic.version = 14 : i64} {
  func.func @prop_kernel(%arg0: i32, %arg1: i32, %arg2: memref<10240x16xf32, #tpu.memory_space<hbm>>, %arg3: memref<32x40x128xi32, #tpu.memory_space<hbm>>, %arg4: memref<32x40x128xi32, #tpu.memory_space<hbm>>, %arg5: memref<2x10240x16xf32, #tpu.memory_space<hbm>>, %arg6: memref<40x128xi32, #tpu.memory_space<vmem>>, %arg7: memref<40x128xi32, #tpu.memory_space<vmem>>, %arg8: memref<128x16xf32, #tpu.memory_space<vmem>>, %arg9: memref<128x16xf32, #tpu.memory_space<vmem>>, %arg10: memref<640x16xf32, #tpu.memory_space<vmem>>, %arg11: memref<10240x16xf32, #tpu.memory_space<vmem_shared>>, %arg12: memref<!tpu.dma_semaphore, #tpu.memory_space<semaphore_mem>>, %arg13: memref<!tpu.dma_semaphore, #tpu.memory_space<semaphore_mem>>) attributes {dimension_semantics = [#tpu.dimension_semantics<core_parallel>, #tpu.dimension_semantics<subcore_parallel>], iteration_bounds = array<i64: 2, 16>, scalar_prefetch = 0 : i64, scratch_operands = 8 : i64, tpu.core_type = #tpu.core_type<sc_vector_subcore>, window_params = [{transform_indices = #map}, {transform_indices = #map1}, {transform_indices = #map1}, {transform_indices = #map1}]} {
    %mul3A = arith.constant 2 : i32
    %mul3A_0 = arith.muli %arg1, %mul3A : i32
    %add3A = arith.addi %mul3A_0, %arg0 : i32
    %scan3A = arith.constant 0 : i32
    %scan3A_1 = arith.constant 0 : i32
    %scan3A_2 = arith.constant 640 : i32
    %scan3A_3 = arith.addi %scan3A_1, %scan3A_2 : i32
    %scan3A_4 = arith.constant 1 : i32
    scf.for %scan3A_25 = %scan3A_1 to %scan3A_3 step %scan3A_4  : i32 {
      %broadcast_in_dim3A = arith.constant 0.000000e+00 : f32
      %broadcast_in_dim3A_26 = vector.broadcast %broadcast_in_dim3A : f32 to vector<16xf32>
      %swap3A = arith.index_cast %scan3A_25 : i32 to index
      %swap3A_27 = arith.constant 0 : index
      %swap3A_28 = tpu.vector_load %arg10[%swap3A, %swap3A_27] {strides = array<i32>} : memref<640x16xf32, #tpu.memory_space<vmem>>, vector<1x16xf32>,
      %swap3A_29 = vector.shape_cast %swap3A_28 : vector<1x16xf32> to vector<16xf32>
      %swap3A_30 = vector.shape_cast %broadcast_in_dim3A_26 : vector<16xf32> to vector<1x16xf32>
      tpu.vector_store %arg10[%swap3A, %swap3A_27], %swap3A_30 {strides = array<i32>} : memref<640x16xf32, #tpu.memory_space<vmem>>, vector<1x16xf32>,
    }
    %scan3A_5 = arith.constant 640 : i32
    %mul3A_6 = arith.constant 640 : i32
    %mul3A_7 = arith.muli %arg1, %mul3A_6 : i32
    "tpu.region"() ({
      %run_scoped3A = tpu.sem_alloc : memref<!tpu.dma_semaphore, #tpu.memory_space<semaphore_mem>>
      %dma_start3A_25 = arith.constant 0 : i32
      %dma_start3A_26 = tpu.memref_slice %arg11[%mul3A_7, %dma_start3A_25] : memref<10240x16xf32, #tpu.memory_space<vmem_shared>> -> memref<640x16xf32, #tpu.memory_space<vmem_shared>>
      %dma_start3A_27 = arith.constant 0 : i32
      %dma_start3A_28 = tpu.memref_slice %arg11[%mul3A_7, %dma_start3A_27] : memref<10240x16xf32, #tpu.memory_space<vmem_shared>> -> memref<640x16xf32, #tpu.memory_space<vmem_shared>>
      tpu.enqueue_dma source(%arg10 : memref<640x16xf32, #tpu.memory_space<vmem>>) target(%dma_start3A_28 : memref<640x16xf32, #tpu.memory_space<vmem_shared>>) target_semaphore(%run_scoped3A : memref<!tpu.dma_semaphore, #tpu.memory_space<semaphore_mem>>)
      %dma_wait3A = arith.constant 0 : i32
      %dma_wait3A_29 = tpu.memref_slice %arg11[%mul3A_7, %dma_wait3A] : memref<10240x16xf32, #tpu.memory_space<vmem_shared>> -> memref<640x16xf32, #tpu.memory_space<vmem_shared>>
      %dma_wait3A_30 = arith.constant 0 : i32
      %dma_wait3A_31 = tpu.memref_slice %arg11[%mul3A_7, %dma_wait3A_30] : memref<10240x16xf32, #tpu.memory_space<vmem_shared>> -> memref<640x16xf32, #tpu.memory_space<vmem_shared>>
      tpu.wait_dma2 semaphore(%run_scoped3A : memref<!tpu.dma_semaphore, #tpu.memory_space<semaphore_mem>>) src(%arg10 : memref<640x16xf32, #tpu.memory_space<vmem>>) dst(%dma_wait3A_31 : memref<640x16xf32, #tpu.memory_space<vmem_shared>>)
      tpu.yield
    }) : () -> ()
    "tpu.region"() ({
      %run_scoped3A = tpu.sem_alloc : memref<!tpu.dma_semaphore, #tpu.memory_space<semaphore_mem>>
      %dma_start3A_25 = arith.constant 0 : i32
      %dma_start3A_26 = arith.constant 0 : i32
      %dma_start3A_27 = tpu.memref_slice %arg3[%add3A, %dma_start3A_25, %dma_start3A_26] : memref<32x40x128xi32, #tpu.memory_space<hbm>> -> memref<1x40x128xi32, #tpu.memory_space<hbm>>
      %dma_start3A_28 = tpu.memref_squeeze %dma_start3A_27 : memref<1x40x128xi32, #tpu.memory_space<hbm>> -> memref<40x128xi32, #tpu.memory_space<hbm>>
      %dma_start3A_29 = arith.constant 0 : i32
      %dma_start3A_30 = arith.constant 0 : i32
      %dma_start3A_31 = tpu.memref_slice %arg3[%add3A, %dma_start3A_29, %dma_start3A_30] : memref<32x40x128xi32, #tpu.memory_space<hbm>> -> memref<1x40x128xi32, #tpu.memory_space<hbm>>
      %dma_start3A_32 = tpu.memref_squeeze %dma_start3A_31 : memref<1x40x128xi32, #tpu.memory_space<hbm>> -> memref<40x128xi32, #tpu.memory_space<hbm>>
      tpu.enqueue_dma source(%dma_start3A_32 : memref<40x128xi32, #tpu.memory_space<hbm>>) target(%arg6 : memref<40x128xi32, #tpu.memory_space<vmem>>) target_semaphore(%run_scoped3A : memref<!tpu.dma_semaphore, #tpu.memory_space<semaphore_mem>>)
      %dma_wait3A = arith.constant 0 : i32
      %dma_wait3A_33 = arith.constant 0 : i32
      %dma_wait3A_34 = tpu.memref_slice %arg3[%add3A, %dma_wait3A, %dma_wait3A_33] : memref<32x40x128xi32, #tpu.memory_space<hbm>> -> memref<1x40x128xi32, #tpu.memory_space<hbm>>
      %dma_wait3A_35 = tpu.memref_squeeze %dma_wait3A_34 : memref<1x40x128xi32, #tpu.memory_space<hbm>> -> memref<40x128xi32, #tpu.memory_space<hbm>>
      %dma_wait3A_36 = arith.constant 0 : i32
      %dma_wait3A_37 = arith.constant 0 : i32
      %dma_wait3A_38 = tpu.memref_slice %arg3[%add3A, %dma_wait3A_36, %dma_wait3A_37] : memref<32x40x128xi32, #tpu.memory_space<hbm>> -> memref<1x40x128xi32, #tpu.memory_space<hbm>>
      %dma_wait3A_39 = tpu.memref_squeeze %dma_wait3A_38 : memref<1x40x128xi32, #tpu.memory_space<hbm>> -> memref<40x128xi32, #tpu.memory_space<hbm>>
      tpu.wait_dma2 semaphore(%run_scoped3A : memref<!tpu.dma_semaphore, #tpu.memory_space<semaphore_mem>>) src(%dma_wait3A_39 : memref<40x128xi32, #tpu.memory_space<hbm>>) dst(%arg6 : memref<40x128xi32, #tpu.memory_space<vmem>>)
      tpu.yield
    }) : () -> ()
    "tpu.region"() ({
      %run_scoped3A = tpu.sem_alloc : memref<!tpu.dma_semaphore, #tpu.memory_space<semaphore_mem>>
      %dma_start3A_25 = arith.constant 0 : i32
      %dma_start3A_26 = arith.constant 0 : i32
      %dma_start3A_27 = tpu.memref_slice %arg4[%add3A, %dma_start3A_25, %dma_start3A_26] : memref<32x40x128xi32, #tpu.memory_space<hbm>> -> memref<1x40x128xi32, #tpu.memory_space<hbm>>
      %dma_start3A_28 = tpu.memref_squeeze %dma_start3A_27 : memref<1x40x128xi32, #tpu.memory_space<hbm>> -> memref<40x128xi32, #tpu.memory_space<hbm>>
      %dma_start3A_29 = arith.constant 0 : i32
      %dma_start3A_30 = arith.constant 0 : i32
      %dma_start3A_31 = tpu.memref_slice %arg4[%add3A, %dma_start3A_29, %dma_start3A_30] : memref<32x40x128xi32, #tpu.memory_space<hbm>> -> memref<1x40x128xi32, #tpu.memory_space<hbm>>
      %dma_start3A_32 = tpu.memref_squeeze %dma_start3A_31 : memref<1x40x128xi32, #tpu.memory_space<hbm>> -> memref<40x128xi32, #tpu.memory_space<hbm>>
      tpu.enqueue_dma source(%dma_start3A_32 : memref<40x128xi32, #tpu.memory_space<hbm>>) target(%arg7 : memref<40x128xi32, #tpu.memory_space<vmem>>) target_semaphore(%run_scoped3A : memref<!tpu.dma_semaphore, #tpu.memory_space<semaphore_mem>>)
      %dma_wait3A = arith.constant 0 : i32
      %dma_wait3A_33 = arith.constant 0 : i32
      %dma_wait3A_34 = tpu.memref_slice %arg4[%add3A, %dma_wait3A, %dma_wait3A_33] : memref<32x40x128xi32, #tpu.memory_space<hbm>> -> memref<1x40x128xi32, #tpu.memory_space<hbm>>
      %dma_wait3A_35 = tpu.memref_squeeze %dma_wait3A_34 : memref<1x40x128xi32, #tpu.memory_space<hbm>> -> memref<40x128xi32, #tpu.memory_space<hbm>>
      %dma_wait3A_36 = arith.constant 0 : i32
      %dma_wait3A_37 = arith.constant 0 : i32
      %dma_wait3A_38 = tpu.memref_slice %arg4[%add3A, %dma_wait3A_36, %dma_wait3A_37] : memref<32x40x128xi32, #tpu.memory_space<hbm>> -> memref<1x40x128xi32, #tpu.memory_space<hbm>>
      %dma_wait3A_39 = tpu.memref_squeeze %dma_wait3A_38 : memref<1x40x128xi32, #tpu.memory_space<hbm>> -> memref<40x128xi32, #tpu.memory_space<hbm>>
      tpu.wait_dma2 semaphore(%run_scoped3A : memref<!tpu.dma_semaphore, #tpu.memory_space<semaphore_mem>>) src(%dma_wait3A_39 : memref<40x128xi32, #tpu.memory_space<hbm>>) dst(%arg7 : memref<40x128xi32, #tpu.memory_space<vmem>>)
      tpu.yield
    }) : () -> ()
    %barrier3A = arith.constant 0 : index
    tpu.barrier barrier_id(%barrier3A)
    %dma_start3A = arith.constant 0 : i32
    %dma_start3A_8 = arith.constant 0 : i32
    %dma_start3A_9 = tpu.memref_slice %arg6[%dma_start3A, %dma_start3A_8] : memref<40x128xi32, #tpu.memory_space<vmem>> -> memref<1x128xi32, #tpu.memory_space<vmem>>
    %dma_start3A_10 = tpu.memref_squeeze %dma_start3A_9 : memref<1x128xi32, #tpu.memory_space<vmem>> -> memref<128xi32, #tpu.memory_space<vmem>>
    %dma_start3A_11 = arith.constant 0 : i32
    %dma_start3A_12 = arith.constant 0 : i32
    %dma_start3A_13 = tpu.memref_slice %arg2[%dma_start3A_11, %dma_start3A_12] : memref<10240x16xf32, #tpu.memory_space<hbm>> -> memref<10240x16xf32, #tpu.memory_space<hbm>>
    tpu.enqueue_indirect_dma source(%dma_start3A_13 : memref<10240x16xf32, #tpu.memory_space<hbm>>) target(%arg8 : memref<128x16xf32, #tpu.memory_space<vmem>>) offsets(%dma_start3A_10 : memref<128xi32, #tpu.memory_space<vmem>>) semaphore(%arg12 : memref<!tpu.dma_semaphore, #tpu.memory_space<semaphore_mem>>)
    %scan3A_14 = arith.constant 0 : i32
    %scan3A_15 = arith.constant 0 : i32
    %scan3A_16 = arith.constant 20 : i32
    %scan3A_17 = arith.addi %scan3A_15, %scan3A_16 : i32
    %scan3A_18 = arith.constant 1 : i32
    scf.for %scan3A_25 = %scan3A_15 to %scan3A_17 step %scan3A_18  : i32 {
      %mul3A_26 = arith.constant 2 : i32
      %mul3A_27 = arith.muli %mul3A_26, %scan3A_25 : i32
      %add3A_28 = arith.constant 1 : i32
      %add3A_29 = arith.addi %mul3A_27, %add3A_28 : i32
      %dma_wait3A = arith.constant 0 : i32
      %dma_wait3A_30 = tpu.memref_slice %arg6[%mul3A_27, %dma_wait3A] : memref<40x128xi32, #tpu.memory_space<vmem>> -> memref<1x128xi32, #tpu.memory_space<vmem>>
      %dma_wait3A_31 = tpu.memref_squeeze %dma_wait3A_30 : memref<1x128xi32, #tpu.memory_space<vmem>> -> memref<128xi32, #tpu.memory_space<vmem>>
      %dma_wait3A_32 = arith.constant 0 : i32
      %dma_wait3A_33 = arith.constant 0 : i32
      %dma_wait3A_34 = tpu.memref_slice %arg2[%dma_wait3A_32, %dma_wait3A_33] : memref<10240x16xf32, #tpu.memory_space<hbm>> -> memref<10240x16xf32, #tpu.memory_space<hbm>>
      tpu.wait_indirect_dma semaphore(%arg12 : memref<!tpu.dma_semaphore, #tpu.memory_space<semaphore_mem>>) src(%dma_wait3A_34 : memref<10240x16xf32, #tpu.memory_space<hbm>>) dst(%arg8 : memref<128x16xf32, #tpu.memory_space<vmem>>)
      %dma_start3A_35 = arith.constant 0 : i32
      %dma_start3A_36 = tpu.memref_slice %arg6[%add3A_29, %dma_start3A_35] : memref<40x128xi32, #tpu.memory_space<vmem>> -> memref<1x128xi32, #tpu.memory_space<vmem>>
      %dma_start3A_37 = tpu.memref_squeeze %dma_start3A_36 : memref<1x128xi32, #tpu.memory_space<vmem>> -> memref<128xi32, #tpu.memory_space<vmem>>
      %dma_start3A_38 = arith.constant 0 : i32
      %dma_start3A_39 = arith.constant 0 : i32
      %dma_start3A_40 = tpu.memref_slice %arg2[%dma_start3A_38, %dma_start3A_39] : memref<10240x16xf32, #tpu.memory_space<hbm>> -> memref<10240x16xf32, #tpu.memory_space<hbm>>
      tpu.enqueue_indirect_dma source(%dma_start3A_40 : memref<10240x16xf32, #tpu.memory_space<hbm>>) target(%arg9 : memref<128x16xf32, #tpu.memory_space<vmem>>) offsets(%dma_start3A_37 : memref<128xi32, #tpu.memory_space<vmem>>) semaphore(%arg13 : memref<!tpu.dma_semaphore, #tpu.memory_space<semaphore_mem>>)
      "tpu.region"() ({
        %run_scoped3A = tpu.sem_alloc : memref<!tpu.dma_semaphore, #tpu.memory_space<semaphore_mem>>
        %dma_start3A_51 = arith.constant 0 : i32
        %dma_start3A_52 = tpu.memref_slice %arg7[%mul3A_27, %dma_start3A_51] : memref<40x128xi32, #tpu.memory_space<vmem>> -> memref<1x128xi32, #tpu.memory_space<vmem>>
        %dma_start3A_53 = tpu.memref_squeeze %dma_start3A_52 : memref<1x128xi32, #tpu.memory_space<vmem>> -> memref<128xi32, #tpu.memory_space<vmem>>
        %dma_start3A_54 = arith.constant 0 : i32
        %dma_start3A_55 = arith.constant 0 : i32
        %dma_start3A_56 = tpu.memref_slice %arg11[%dma_start3A_54, %dma_start3A_55] : memref<10240x16xf32, #tpu.memory_space<vmem_shared>> -> memref<10240x16xf32, #tpu.memory_space<vmem_shared>>
        tpu.enqueue_indirect_dma source(%arg8 : memref<128x16xf32, #tpu.memory_space<vmem>>) target(%dma_start3A_56 : memref<10240x16xf32, #tpu.memory_space<vmem_shared>>) offsets(%dma_start3A_53 : memref<128xi32, #tpu.memory_space<vmem>>) semaphore(%run_scoped3A : memref<!tpu.dma_semaphore, #tpu.memory_space<semaphore_mem>>) {add = true}
        %dma_wait3A_57 = arith.constant 0 : i32
        %dma_wait3A_58 = tpu.memref_slice %arg7[%mul3A_27, %dma_wait3A_57] : memref<40x128xi32, #tpu.memory_space<vmem>> -> memref<1x128xi32, #tpu.memory_space<vmem>>
        %dma_wait3A_59 = tpu.memref_squeeze %dma_wait3A_58 : memref<1x128xi32, #tpu.memory_space<vmem>> -> memref<128xi32, #tpu.memory_space<vmem>>
        %dma_wait3A_60 = arith.constant 0 : i32
        %dma_wait3A_61 = arith.constant 0 : i32
        %dma_wait3A_62 = tpu.memref_slice %arg11[%dma_wait3A_60, %dma_wait3A_61] : memref<10240x16xf32, #tpu.memory_space<vmem_shared>> -> memref<10240x16xf32, #tpu.memory_space<vmem_shared>>
        tpu.wait_indirect_dma semaphore(%run_scoped3A : memref<!tpu.dma_semaphore, #tpu.memory_space<semaphore_mem>>) src(%arg8 : memref<128x16xf32, #tpu.memory_space<vmem>>) dst(%dma_wait3A_62 : memref<10240x16xf32, #tpu.memory_space<vmem_shared>>)
        tpu.yield
      }) : () -> ()
      %dma_wait3A_41 = arith.constant 0 : i32
      %dma_wait3A_42 = tpu.memref_slice %arg6[%add3A_29, %dma_wait3A_41] : memref<40x128xi32, #tpu.memory_space<vmem>> -> memref<1x128xi32, #tpu.memory_space<vmem>>
      %dma_wait3A_43 = tpu.memref_squeeze %dma_wait3A_42 : memref<1x128xi32, #tpu.memory_space<vmem>> -> memref<128xi32, #tpu.memory_space<vmem>>
      %dma_wait3A_44 = arith.constant 0 : i32
      %dma_wait3A_45 = arith.constant 0 : i32
      %dma_wait3A_46 = tpu.memref_slice %arg2[%dma_wait3A_44, %dma_wait3A_45] : memref<10240x16xf32, #tpu.memory_space<hbm>> -> memref<10240x16xf32, #tpu.memory_space<hbm>>
      tpu.wait_indirect_dma semaphore(%arg13 : memref<!tpu.dma_semaphore, #tpu.memory_space<semaphore_mem>>) src(%dma_wait3A_46 : memref<10240x16xf32, #tpu.memory_space<hbm>>) dst(%arg9 : memref<128x16xf32, #tpu.memory_space<vmem>>)
      %add3A_47 = arith.constant 1 : i32
      %add3A_48 = arith.addi %scan3A_25, %add3A_47 : i32
      %lt3A = arith.constant 20 : i32
      %lt3A_49 = arith.cmpi slt, %add3A_48, %lt3A : i32
      %convert_element_type3A = arith.extui %lt3A_49 : i1 to i32
      %cond3A = arith.constant 0 : i32
      %cond3A_50 = arith.cmpi ne, %convert_element_type3A, %cond3A : i32
      scf.if %cond3A_50 {
        %add3A_51 = arith.constant 2 : i32
        %add3A_52 = arith.addi %mul3A_27, %add3A_51 : i32
        %dma_start3A_53 = arith.constant 0 : i32
        %dma_start3A_54 = tpu.memref_slice %arg6[%add3A_52, %dma_start3A_53] : memref<40x128xi32, #tpu.memory_space<vmem>> -> memref<1x128xi32, #tpu.memory_space<vmem>>
        %dma_start3A_55 = tpu.memref_squeeze %dma_start3A_54 : memref<1x128xi32, #tpu.memory_space<vmem>> -> memref<128xi32, #tpu.memory_space<vmem>>
        %dma_start3A_56 = arith.constant 0 : i32
        %dma_start3A_57 = arith.constant 0 : i32
        %dma_start3A_58 = tpu.memref_slice %arg2[%dma_start3A_56, %dma_start3A_57] : memref<10240x16xf32, #tpu.memory_space<hbm>> -> memref<10240x16xf32, #tpu.memory_space<hbm>>
        tpu.enqueue_indirect_dma source(%dma_start3A_58 : memref<10240x16xf32, #tpu.memory_space<hbm>>) target(%arg8 : memref<128x16xf32, #tpu.memory_space<vmem>>) offsets(%dma_start3A_55 : memref<128xi32, #tpu.memory_space<vmem>>) semaphore(%arg12 : memref<!tpu.dma_semaphore, #tpu.memory_space<semaphore_mem>>)
      } else {
      }
      "tpu.region"() ({
        %run_scoped3A = tpu.sem_alloc : memref<!tpu.dma_semaphore, #tpu.memory_space<semaphore_mem>>
        %dma_start3A_51 = arith.constant 0 : i32
        %dma_start3A_52 = tpu.memref_slice %arg7[%add3A_29, %dma_start3A_51] : memref<40x128xi32, #tpu.memory_space<vmem>> -> memref<1x128xi32, #tpu.memory_space<vmem>>
        %dma_start3A_53 = tpu.memref_squeeze %dma_start3A_52 : memref<1x128xi32, #tpu.memory_space<vmem>> -> memref<128xi32, #tpu.memory_space<vmem>>
        %dma_start3A_54 = arith.constant 0 : i32
        %dma_start3A_55 = arith.constant 0 : i32
        %dma_start3A_56 = tpu.memref_slice %arg11[%dma_start3A_54, %dma_start3A_55] : memref<10240x16xf32, #tpu.memory_space<vmem_shared>> -> memref<10240x16xf32, #tpu.memory_space<vmem_shared>>
        tpu.enqueue_indirect_dma source(%arg9 : memref<128x16xf32, #tpu.memory_space<vmem>>) target(%dma_start3A_56 : memref<10240x16xf32, #tpu.memory_space<vmem_shared>>) offsets(%dma_start3A_53 : memref<128xi32, #tpu.memory_space<vmem>>) semaphore(%run_scoped3A : memref<!tpu.dma_semaphore, #tpu.memory_space<semaphore_mem>>) {add = true}
        %dma_wait3A_57 = arith.constant 0 : i32
        %dma_wait3A_58 = tpu.memref_slice %arg7[%add3A_29, %dma_wait3A_57] : memref<40x128xi32, #tpu.memory_space<vmem>> -> memref<1x128xi32, #tpu.memory_space<vmem>>
        %dma_wait3A_59 = tpu.memref_squeeze %dma_wait3A_58 : memref<1x128xi32, #tpu.memory_space<vmem>> -> memref<128xi32, #tpu.memory_space<vmem>>
        %dma_wait3A_60 = arith.constant 0 : i32
        %dma_wait3A_61 = arith.constant 0 : i32
        %dma_wait3A_62 = tpu.memref_slice %arg11[%dma_wait3A_60, %dma_wait3A_61] : memref<10240x16xf32, #tpu.memory_space<vmem_shared>> -> memref<10240x16xf32, #tpu.memory_space<vmem_shared>>
        tpu.wait_indirect_dma semaphore(%run_scoped3A : memref<!tpu.dma_semaphore, #tpu.memory_space<semaphore_mem>>) src(%arg9 : memref<128x16xf32, #tpu.memory_space<vmem>>) dst(%dma_wait3A_62 : memref<10240x16xf32, #tpu.memory_space<vmem_shared>>)
        tpu.yield
      }) : () -> ()
    }
    %scan3A_19 = arith.constant 20 : i32
    %barrier3A_20 = arith.constant 0 : index
    tpu.barrier barrier_id(%barrier3A_20)
    %mul3A_21 = arith.constant 640 : i32
    %mul3A_22 = arith.muli %arg1, %mul3A_21 : i32
    %mul3A_23 = arith.constant 640 : i32
    %mul3A_24 = arith.muli %arg1, %mul3A_23 : i32
    "tpu.region"() ({
      %run_scoped3A = tpu.sem_alloc : memref<!tpu.dma_semaphore, #tpu.memory_space<semaphore_mem>>
      %dma_start3A_25 = arith.constant 0 : i32
      %dma_start3A_26 = tpu.memref_slice %arg5[%arg0, %mul3A_24, %dma_start3A_25] : memref<2x10240x16xf32, #tpu.memory_space<hbm>> -> memref<1x640x16xf32, #tpu.memory_space<hbm>>
      %dma_start3A_27 = tpu.memref_squeeze %dma_start3A_26 : memref<1x640x16xf32, #tpu.memory_space<hbm>> -> memref<640x16xf32, #tpu.memory_space<hbm>>
      %dma_start3A_28 = arith.constant 0 : i32
      %dma_start3A_29 = tpu.memref_slice %arg11[%mul3A_22, %dma_start3A_28] : memref<10240x16xf32, #tpu.memory_space<vmem_shared>> -> memref<640x16xf32, #tpu.memory_space<vmem_shared>>
      tpu.enqueue_dma source(%dma_start3A_29 : memref<640x16xf32, #tpu.memory_space<vmem_shared>>) target(%dma_start3A_27 : memref<640x16xf32, #tpu.memory_space<hbm>>) target_semaphore(%run_scoped3A : memref<!tpu.dma_semaphore, #tpu.memory_space<semaphore_mem>>)
      %dma_wait3A = arith.constant 0 : i32
      %dma_wait3A_30 = tpu.memref_slice %arg5[%arg0, %mul3A_24, %dma_wait3A] : memref<2x10240x16xf32, #tpu.memory_space<hbm>> -> memref<1x640x16xf32, #tpu.memory_space<hbm>>
      %dma_wait3A_31 = tpu.memref_squeeze %dma_wait3A_30 : memref<1x640x16xf32, #tpu.memory_space<hbm>> -> memref<640x16xf32, #tpu.memory_space<hbm>>
      %dma_wait3A_32 = arith.constant 0 : i32
      %dma_wait3A_33 = tpu.memref_slice %arg11[%mul3A_22, %dma_wait3A_32] : memref<10240x16xf32, #tpu.memory_space<vmem_shared>> -> memref<640x16xf32, #tpu.memory_space<vmem_shared>>
      tpu.wait_dma2 semaphore(%run_scoped3A : memref<!tpu.dma_semaphore, #tpu.memory_space<semaphore_mem>>) src(%dma_wait3A_33 : memref<640x16xf32, #tpu.memory_space<vmem_shared>>) dst(%dma_wait3A_31 : memref<640x16xf32, #tpu.memory_space<hbm>>)
      tpu.yield
    }) : () -> ()
    return
  }
}

#map = affine_map<(d0, d1) -> (0, 0, 0)>
#map1 = affine_map<(d0, d1) -> (0, 0)>
module attributes {stable_mosaic.version = 14 : i64} {
  func.func @deg_kernel(%arg0: i32, %arg1: i32, %arg2: memref<32x40x128xi32, #tpu.memory_space<hbm>>, %arg3: memref<2x10240xf32, #tpu.memory_space<hbm>>, %arg4: memref<40x128xi32, #tpu.memory_space<vmem>>, %arg5: memref<128xf32, #tpu.memory_space<vmem>>, %arg6: memref<640xf32, #tpu.memory_space<vmem>>, %arg7: memref<10240xf32, #tpu.memory_space<vmem_shared>>) attributes {dimension_semantics = [#tpu.dimension_semantics<core_parallel>, #tpu.dimension_semantics<subcore_parallel>], iteration_bounds = array<i64: 2, 16>, scalar_prefetch = 0 : i64, scratch_operands = 4 : i64, tpu.core_type = #tpu.core_type<sc_vector_subcore>, window_params = [{transform_indices = #map}, {transform_indices = #map1}]} {
    %mul3A = arith.constant 2 : i32
    %mul3A_0 = arith.muli %arg1, %mul3A : i32
    %add3A = arith.addi %mul3A_0, %arg0 : i32
    %broadcast_in_dim3A = arith.constant 1.000000e+00 : f32
    %broadcast_in_dim3A_1 = vector.broadcast %broadcast_in_dim3A : f32 to vector<16xf32>
    %swap3A = arith.constant 0 : index
    %swap3A_2 = tpu.vector_load %arg5[%swap3A] {strides = array<i32>} : memref<128xf32, #tpu.memory_space<vmem>>, vector<16xf32>,
    %swap3A_3 = vector.shape_cast %swap3A_2 : vector<16xf32> to vector<16xf32>
    %swap3A_4 = vector.shape_cast %broadcast_in_dim3A_1 : vector<16xf32> to vector<16xf32>
    tpu.vector_store %arg5[%swap3A], %swap3A_4 {strides = array<i32>} : memref<128xf32, #tpu.memory_space<vmem>>, vector<16xf32>,
    %broadcast_in_dim3A_5 = arith.constant 1.000000e+00 : f32
    %broadcast_in_dim3A_6 = vector.broadcast %broadcast_in_dim3A_5 : f32 to vector<16xf32>
    %swap3A_7 = arith.constant 16 : index
    %swap3A_8 = tpu.vector_load %arg5[%swap3A_7] {strides = array<i32>} : memref<128xf32, #tpu.memory_space<vmem>>, vector<16xf32>,
    %swap3A_9 = vector.shape_cast %swap3A_8 : vector<16xf32> to vector<16xf32>
    %swap3A_10 = vector.shape_cast %broadcast_in_dim3A_6 : vector<16xf32> to vector<16xf32>
    tpu.vector_store %arg5[%swap3A_7], %swap3A_10 {strides = array<i32>} : memref<128xf32, #tpu.memory_space<vmem>>, vector<16xf32>,
    %broadcast_in_dim3A_11 = arith.constant 1.000000e+00 : f32
    %broadcast_in_dim3A_12 = vector.broadcast %broadcast_in_dim3A_11 : f32 to vector<16xf32>
    %swap3A_13 = arith.constant 32 : index
    %swap3A_14 = tpu.vector_load %arg5[%swap3A_13] {strides = array<i32>} : memref<128xf32, #tpu.memory_space<vmem>>, vector<16xf32>,
    %swap3A_15 = vector.shape_cast %swap3A_14 : vector<16xf32> to vector<16xf32>
    %swap3A_16 = vector.shape_cast %broadcast_in_dim3A_12 : vector<16xf32> to vector<16xf32>
    tpu.vector_store %arg5[%swap3A_13], %swap3A_16 {strides = array<i32>} : memref<128xf32, #tpu.memory_space<vmem>>, vector<16xf32>,
    %broadcast_in_dim3A_17 = arith.constant 1.000000e+00 : f32
    %broadcast_in_dim3A_18 = vector.broadcast %broadcast_in_dim3A_17 : f32 to vector<16xf32>
    %swap3A_19 = arith.constant 48 : index
    %swap3A_20 = tpu.vector_load %arg5[%swap3A_19] {strides = array<i32>} : memref<128xf32, #tpu.memory_space<vmem>>, vector<16xf32>,
    %swap3A_21 = vector.shape_cast %swap3A_20 : vector<16xf32> to vector<16xf32>
    %swap3A_22 = vector.shape_cast %broadcast_in_dim3A_18 : vector<16xf32> to vector<16xf32>
    tpu.vector_store %arg5[%swap3A_19], %swap3A_22 {strides = array<i32>} : memref<128xf32, #tpu.memory_space<vmem>>, vector<16xf32>,
    %broadcast_in_dim3A_23 = arith.constant 1.000000e+00 : f32
    %broadcast_in_dim3A_24 = vector.broadcast %broadcast_in_dim3A_23 : f32 to vector<16xf32>
    %swap3A_25 = arith.constant 64 : index
    %swap3A_26 = tpu.vector_load %arg5[%swap3A_25] {strides = array<i32>} : memref<128xf32, #tpu.memory_space<vmem>>, vector<16xf32>,
    %swap3A_27 = vector.shape_cast %swap3A_26 : vector<16xf32> to vector<16xf32>
    %swap3A_28 = vector.shape_cast %broadcast_in_dim3A_24 : vector<16xf32> to vector<16xf32>
    tpu.vector_store %arg5[%swap3A_25], %swap3A_28 {strides = array<i32>} : memref<128xf32, #tpu.memory_space<vmem>>, vector<16xf32>,
    %broadcast_in_dim3A_29 = arith.constant 1.000000e+00 : f32
    %broadcast_in_dim3A_30 = vector.broadcast %broadcast_in_dim3A_29 : f32 to vector<16xf32>
    %swap3A_31 = arith.constant 80 : index
    %swap3A_32 = tpu.vector_load %arg5[%swap3A_31] {strides = array<i32>} : memref<128xf32, #tpu.memory_space<vmem>>, vector<16xf32>,
    %swap3A_33 = vector.shape_cast %swap3A_32 : vector<16xf32> to vector<16xf32>
    %swap3A_34 = vector.shape_cast %broadcast_in_dim3A_30 : vector<16xf32> to vector<16xf32>
    tpu.vector_store %arg5[%swap3A_31], %swap3A_34 {strides = array<i32>} : memref<128xf32, #tpu.memory_space<vmem>>, vector<16xf32>,
    %broadcast_in_dim3A_35 = arith.constant 1.000000e+00 : f32
    %broadcast_in_dim3A_36 = vector.broadcast %broadcast_in_dim3A_35 : f32 to vector<16xf32>
    %swap3A_37 = arith.constant 96 : index
    %swap3A_38 = tpu.vector_load %arg5[%swap3A_37] {strides = array<i32>} : memref<128xf32, #tpu.memory_space<vmem>>, vector<16xf32>,
    %swap3A_39 = vector.shape_cast %swap3A_38 : vector<16xf32> to vector<16xf32>
    %swap3A_40 = vector.shape_cast %broadcast_in_dim3A_36 : vector<16xf32> to vector<16xf32>
    tpu.vector_store %arg5[%swap3A_37], %swap3A_40 {strides = array<i32>} : memref<128xf32, #tpu.memory_space<vmem>>, vector<16xf32>,
    %broadcast_in_dim3A_41 = arith.constant 1.000000e+00 : f32
    %broadcast_in_dim3A_42 = vector.broadcast %broadcast_in_dim3A_41 : f32 to vector<16xf32>
    %swap3A_43 = arith.constant 112 : index
    %swap3A_44 = tpu.vector_load %arg5[%swap3A_43] {strides = array<i32>} : memref<128xf32, #tpu.memory_space<vmem>>, vector<16xf32>,
    %swap3A_45 = vector.shape_cast %swap3A_44 : vector<16xf32> to vector<16xf32>
    %swap3A_46 = vector.shape_cast %broadcast_in_dim3A_42 : vector<16xf32> to vector<16xf32>
    tpu.vector_store %arg5[%swap3A_43], %swap3A_46 {strides = array<i32>} : memref<128xf32, #tpu.memory_space<vmem>>, vector<16xf32>,
    %scan3A = arith.constant 0 : i32
    %scan3A_47 = arith.constant 0 : i32
    %scan3A_48 = arith.constant 40 : i32
    %scan3A_49 = arith.addi %scan3A_47, %scan3A_48 : i32
    %scan3A_50 = arith.constant 1 : i32
    scf.for %scan3A_65 = %scan3A_47 to %scan3A_49 step %scan3A_50  : i32 {
      %broadcast_in_dim3A_66 = arith.constant 0.000000e+00 : f32
      %broadcast_in_dim3A_67 = vector.broadcast %broadcast_in_dim3A_66 : f32 to vector<16xf32>
      %mul3A_68 = arith.constant 16 : i32
      %mul3A_69 = arith.muli %scan3A_65, %mul3A_68 : i32
      %swap3A_70 = arith.index_cast %mul3A_69 : i32 to index
      %swap3A_71 = tpu.vector_load %arg6[%swap3A_70] {strides = array<i32>} : memref<640xf32, #tpu.memory_space<vmem>>, vector<16xf32>,
      %swap3A_72 = vector.shape_cast %swap3A_71 : vector<16xf32> to vector<16xf32>
      %swap3A_73 = vector.shape_cast %broadcast_in_dim3A_67 : vector<16xf32> to vector<16xf32>
      tpu.vector_store %arg6[%swap3A_70], %swap3A_73 {strides = array<i32>} : memref<640xf32, #tpu.memory_space<vmem>>, vector<16xf32>,
    }
    %scan3A_51 = arith.constant 40 : i32
    %mul3A_52 = arith.constant 640 : i32
    %mul3A_53 = arith.muli %arg1, %mul3A_52 : i32
    "tpu.region"() ({
      %run_scoped3A = tpu.sem_alloc : memref<!tpu.dma_semaphore, #tpu.memory_space<semaphore_mem>>
      %dma_start3A = tpu.memref_slice %arg7[%mul3A_53] : memref<10240xf32, #tpu.memory_space<vmem_shared>> -> memref<640xf32, #tpu.memory_space<vmem_shared>>
      %dma_start3A_65 = tpu.memref_slice %arg7[%mul3A_53] : memref<10240xf32, #tpu.memory_space<vmem_shared>> -> memref<640xf32, #tpu.memory_space<vmem_shared>>
      tpu.enqueue_dma source(%arg6 : memref<640xf32, #tpu.memory_space<vmem>>) target(%dma_start3A_65 : memref<640xf32, #tpu.memory_space<vmem_shared>>) target_semaphore(%run_scoped3A : memref<!tpu.dma_semaphore, #tpu.memory_space<semaphore_mem>>)
      %dma_wait3A = tpu.memref_slice %arg7[%mul3A_53] : memref<10240xf32, #tpu.memory_space<vmem_shared>> -> memref<640xf32, #tpu.memory_space<vmem_shared>>
      %dma_wait3A_66 = tpu.memref_slice %arg7[%mul3A_53] : memref<10240xf32, #tpu.memory_space<vmem_shared>> -> memref<640xf32, #tpu.memory_space<vmem_shared>>
      tpu.wait_dma2 semaphore(%run_scoped3A : memref<!tpu.dma_semaphore, #tpu.memory_space<semaphore_mem>>) src(%arg6 : memref<640xf32, #tpu.memory_space<vmem>>) dst(%dma_wait3A_66 : memref<640xf32, #tpu.memory_space<vmem_shared>>)
      tpu.yield
    }) : () -> ()
    "tpu.region"() ({
      %run_scoped3A = tpu.sem_alloc : memref<!tpu.dma_semaphore, #tpu.memory_space<semaphore_mem>>
      %dma_start3A = arith.constant 0 : i32
      %dma_start3A_65 = arith.constant 0 : i32
      %dma_start3A_66 = tpu.memref_slice %arg2[%add3A, %dma_start3A, %dma_start3A_65] : memref<32x40x128xi32, #tpu.memory_space<hbm>> -> memref<1x40x128xi32, #tpu.memory_space<hbm>>
      %dma_start3A_67 = tpu.memref_squeeze %dma_start3A_66 : memref<1x40x128xi32, #tpu.memory_space<hbm>> -> memref<40x128xi32, #tpu.memory_space<hbm>>
      %dma_start3A_68 = arith.constant 0 : i32
      %dma_start3A_69 = arith.constant 0 : i32
      %dma_start3A_70 = tpu.memref_slice %arg2[%add3A, %dma_start3A_68, %dma_start3A_69] : memref<32x40x128xi32, #tpu.memory_space<hbm>> -> memref<1x40x128xi32, #tpu.memory_space<hbm>>
      %dma_start3A_71 = tpu.memref_squeeze %dma_start3A_70 : memref<1x40x128xi32, #tpu.memory_space<hbm>> -> memref<40x128xi32, #tpu.memory_space<hbm>>
      tpu.enqueue_dma source(%dma_start3A_71 : memref<40x128xi32, #tpu.memory_space<hbm>>) target(%arg4 : memref<40x128xi32, #tpu.memory_space<vmem>>) target_semaphore(%run_scoped3A : memref<!tpu.dma_semaphore, #tpu.memory_space<semaphore_mem>>)
      %dma_wait3A = arith.constant 0 : i32
      %dma_wait3A_72 = arith.constant 0 : i32
      %dma_wait3A_73 = tpu.memref_slice %arg2[%add3A, %dma_wait3A, %dma_wait3A_72] : memref<32x40x128xi32, #tpu.memory_space<hbm>> -> memref<1x40x128xi32, #tpu.memory_space<hbm>>
      %dma_wait3A_74 = tpu.memref_squeeze %dma_wait3A_73 : memref<1x40x128xi32, #tpu.memory_space<hbm>> -> memref<40x128xi32, #tpu.memory_space<hbm>>
      %dma_wait3A_75 = arith.constant 0 : i32
      %dma_wait3A_76 = arith.constant 0 : i32
      %dma_wait3A_77 = tpu.memref_slice %arg2[%add3A, %dma_wait3A_75, %dma_wait3A_76] : memref<32x40x128xi32, #tpu.memory_space<hbm>> -> memref<1x40x128xi32, #tpu.memory_space<hbm>>
      %dma_wait3A_78 = tpu.memref_squeeze %dma_wait3A_77 : memref<1x40x128xi32, #tpu.memory_space<hbm>> -> memref<40x128xi32, #tpu.memory_space<hbm>>
      tpu.wait_dma2 semaphore(%run_scoped3A : memref<!tpu.dma_semaphore, #tpu.memory_space<semaphore_mem>>) src(%dma_wait3A_78 : memref<40x128xi32, #tpu.memory_space<hbm>>) dst(%arg4 : memref<40x128xi32, #tpu.memory_space<vmem>>)
      tpu.yield
    }) : () -> ()
    %barrier3A = arith.constant 0 : index
    tpu.barrier barrier_id(%barrier3A)
    %scan3A_54 = arith.constant 0 : i32
    %scan3A_55 = arith.constant 0 : i32
    %scan3A_56 = arith.constant 40 : i32
    %scan3A_57 = arith.addi %scan3A_55, %scan3A_56 : i32
    %scan3A_58 = arith.constant 1 : i32
    scf.for %scan3A_65 = %scan3A_55 to %scan3A_57 step %scan3A_58  : i32 {
      "tpu.region"() ({
        %run_scoped3A = tpu.sem_alloc : memref<!tpu.dma_semaphore, #tpu.memory_space<semaphore_mem>>
        %dma_start3A = arith.constant 0 : i32
        %dma_start3A_66 = tpu.memref_slice %arg4[%scan3A_65, %dma_start3A] : memref<40x128xi32, #tpu.memory_space<vmem>> -> memref<1x128xi32, #tpu.memory_space<vmem>>
        %dma_start3A_67 = tpu.memref_squeeze %dma_start3A_66 : memref<1x128xi32, #tpu.memory_space<vmem>> -> memref<128xi32, #tpu.memory_space<vmem>>
        %dma_start3A_68 = arith.constant 0 : i32
        %dma_start3A_69 = tpu.memref_slice %arg7[%dma_start3A_68] : memref<10240xf32, #tpu.memory_space<vmem_shared>> -> memref<10240xf32, #tpu.memory_space<vmem_shared>>
        tpu.enqueue_indirect_dma source(%arg5 : memref<128xf32, #tpu.memory_space<vmem>>) target(%dma_start3A_69 : memref<10240xf32, #tpu.memory_space<vmem_shared>>) offsets(%dma_start3A_67 : memref<128xi32, #tpu.memory_space<vmem>>) semaphore(%run_scoped3A : memref<!tpu.dma_semaphore, #tpu.memory_space<semaphore_mem>>) {add = true}
        %dma_wait3A = arith.constant 0 : i32
        %dma_wait3A_70 = tpu.memref_slice %arg4[%scan3A_65, %dma_wait3A] : memref<40x128xi32, #tpu.memory_space<vmem>> -> memref<1x128xi32, #tpu.memory_space<vmem>>
        %dma_wait3A_71 = tpu.memref_squeeze %dma_wait3A_70 : memref<1x128xi32, #tpu.memory_space<vmem>> -> memref<128xi32, #tpu.memory_space<vmem>>
        %dma_wait3A_72 = arith.constant 0 : i32
        %dma_wait3A_73 = tpu.memref_slice %arg7[%dma_wait3A_72] : memref<10240xf32, #tpu.memory_space<vmem_shared>> -> memref<10240xf32, #tpu.memory_space<vmem_shared>>
        tpu.wait_indirect_dma semaphore(%run_scoped3A : memref<!tpu.dma_semaphore, #tpu.memory_space<semaphore_mem>>) src(%arg5 : memref<128xf32, #tpu.memory_space<vmem>>) dst(%dma_wait3A_73 : memref<10240xf32, #tpu.memory_space<vmem_shared>>)
        tpu.yield
      }) : () -> ()
    }
    %scan3A_59 = arith.constant 40 : i32
    %barrier3A_60 = arith.constant 0 : index
    tpu.barrier barrier_id(%barrier3A_60)
    %mul3A_61 = arith.constant 640 : i32
    %mul3A_62 = arith.muli %arg1, %mul3A_61 : i32
    %mul3A_63 = arith.constant 640 : i32
    %mul3A_64 = arith.muli %arg1, %mul3A_63 : i32
    "tpu.region"() ({
      %run_scoped3A = tpu.sem_alloc : memref<!tpu.dma_semaphore, #tpu.memory_space<semaphore_mem>>
      %dma_start3A = tpu.memref_slice %arg3[%arg0, %mul3A_64] : memref<2x10240xf32, #tpu.memory_space<hbm>> -> memref<1x640xf32, #tpu.memory_space<hbm>>
      %dma_start3A_65 = tpu.memref_squeeze %dma_start3A : memref<1x640xf32, #tpu.memory_space<hbm>> -> memref<640xf32, #tpu.memory_space<hbm>>
      %dma_start3A_66 = tpu.memref_slice %arg7[%mul3A_62] : memref<10240xf32, #tpu.memory_space<vmem_shared>> -> memref<640xf32, #tpu.memory_space<vmem_shared>>
      tpu.enqueue_dma source(%dma_start3A_66 : memref<640xf32, #tpu.memory_space<vmem_shared>>) target(%dma_start3A_65 : memref<640xf32, #tpu.memory_space<hbm>>) target_semaphore(%run_scoped3A : memref<!tpu.dma_semaphore, #tpu.memory_space<semaphore_mem>>)
      %dma_wait3A = tpu.memref_slice %arg3[%arg0, %mul3A_64] : memref<2x10240xf32, #tpu.memory_space<hbm>> -> memref<1x640xf32, #tpu.memory_space<hbm>>
      %dma_wait3A_67 = tpu.memref_squeeze %dma_wait3A : memref<1x640xf32, #tpu.memory_space<hbm>> -> memref<640xf32, #tpu.memory_space<hbm>>
      %dma_wait3A_68 = tpu.memref_slice %arg7[%mul3A_62] : memref<10240xf32, #tpu.memory_space<vmem_shared>> -> memref<640xf32, #tpu.memory_space<vmem_shared>>
      tpu.wait_dma2 semaphore(%run_scoped3A : memref<!tpu.dma_semaphore, #tpu.memory_space<semaphore_mem>>) src(%dma_wait3A_68 : memref<640xf32, #tpu.memory_space<vmem_shared>>) dst(%dma_wait3A_67 : memref<640xf32, #tpu.memory_space<hbm>>)
      tpu.yield
    }) : () -> ()
    return
  }
}

#map = affine_map<(d0, d1) -> (0, 0)>
#map1 = affine_map<(d0, d1) -> (0, 0, 0)>
module attributes {stable_mosaic.version = 14 : i64} {
  func.func @prop_kernel(%arg0: i32, %arg1: i32, %arg2: memref<10240x16xf32, #tpu.memory_space<hbm>>, %arg3: memref<32x40x128xi32, #tpu.memory_space<hbm>>, %arg4: memref<32x40x128xi32, #tpu.memory_space<hbm>>, %arg5: memref<2x10240x16xf32, #tpu.memory_space<hbm>>, %arg6: memref<40x128xi32, #tpu.memory_space<vmem>>, %arg7: memref<40x128xi32, #tpu.memory_space<vmem>>, %arg8: memref<128x16xf32, #tpu.memory_space<vmem>>, %arg9: memref<128x16xf32, #tpu.memory_space<vmem>>, %arg10: memref<640x16xf32, #tpu.memory_space<vmem>>, %arg11: memref<10240x16xf32, #tpu.memory_space<vmem_shared>>, %arg12: memref<!tpu.dma_semaphore, #tpu.memory_space<semaphore_mem>>, %arg13: memref<!tpu.dma_semaphore, #tpu.memory_space<semaphore_mem>>) attributes {dimension_semantics = [#tpu.dimension_semantics<core_parallel>, #tpu.dimension_semantics<subcore_parallel>], iteration_bounds = array<i64: 2, 16>, scalar_prefetch = 0 : i64, scratch_operands = 8 : i64, tpu.core_type = #tpu.core_type<sc_vector_subcore>, window_params = [{transform_indices = #map}, {transform_indices = #map1}, {transform_indices = #map1}, {transform_indices = #map1}]} {
    %mul3A = arith.constant 2 : i32
    %mul3A_0 = arith.muli %arg1, %mul3A : i32
    %add3A = arith.addi %mul3A_0, %arg0 : i32
    %scan3A = arith.constant 0 : i32
    %scan3A_1 = arith.constant 0 : i32
    %scan3A_2 = arith.constant 640 : i32
    %scan3A_3 = arith.addi %scan3A_1, %scan3A_2 : i32
    %scan3A_4 = arith.constant 1 : i32
    scf.for %scan3A_25 = %scan3A_1 to %scan3A_3 step %scan3A_4  : i32 {
      %broadcast_in_dim3A = arith.constant 0.000000e+00 : f32
      %broadcast_in_dim3A_26 = vector.broadcast %broadcast_in_dim3A : f32 to vector<16xf32>
      %swap3A = arith.index_cast %scan3A_25 : i32 to index
      %swap3A_27 = arith.constant 0 : index
      %swap3A_28 = tpu.vector_load %arg10[%swap3A, %swap3A_27] {strides = array<i32>} : memref<640x16xf32, #tpu.memory_space<vmem>>, vector<1x16xf32>,
      %swap3A_29 = vector.shape_cast %swap3A_28 : vector<1x16xf32> to vector<16xf32>
      %swap3A_30 = vector.shape_cast %broadcast_in_dim3A_26 : vector<16xf32> to vector<1x16xf32>
      tpu.vector_store %arg10[%swap3A, %swap3A_27], %swap3A_30 {strides = array<i32>} : memref<640x16xf32, #tpu.memory_space<vmem>>, vector<1x16xf32>,
    }
    %scan3A_5 = arith.constant 640 : i32
    %mul3A_6 = arith.constant 640 : i32
    %mul3A_7 = arith.muli %arg1, %mul3A_6 : i32
    "tpu.region"() ({
      %run_scoped3A = tpu.sem_alloc : memref<!tpu.dma_semaphore, #tpu.memory_space<semaphore_mem>>
      %dma_start3A_25 = arith.constant 0 : i32
      %dma_start3A_26 = tpu.memref_slice %arg11[%mul3A_7, %dma_start3A_25] : memref<10240x16xf32, #tpu.memory_space<vmem_shared>> -> memref<640x16xf32, #tpu.memory_space<vmem_shared>>
      %dma_start3A_27 = arith.constant 0 : i32
      %dma_start3A_28 = tpu.memref_slice %arg11[%mul3A_7, %dma_start3A_27] : memref<10240x16xf32, #tpu.memory_space<vmem_shared>> -> memref<640x16xf32, #tpu.memory_space<vmem_shared>>
      tpu.enqueue_dma source(%arg10 : memref<640x16xf32, #tpu.memory_space<vmem>>) target(%dma_start3A_28 : memref<640x16xf32, #tpu.memory_space<vmem_shared>>) target_semaphore(%run_scoped3A : memref<!tpu.dma_semaphore, #tpu.memory_space<semaphore_mem>>)
      %dma_wait3A = arith.constant 0 : i32
      %dma_wait3A_29 = tpu.memref_slice %arg11[%mul3A_7, %dma_wait3A] : memref<10240x16xf32, #tpu.memory_space<vmem_shared>> -> memref<640x16xf32, #tpu.memory_space<vmem_shared>>
      %dma_wait3A_30 = arith.constant 0 : i32
      %dma_wait3A_31 = tpu.memref_slice %arg11[%mul3A_7, %dma_wait3A_30] : memref<10240x16xf32, #tpu.memory_space<vmem_shared>> -> memref<640x16xf32, #tpu.memory_space<vmem_shared>>
      tpu.wait_dma2 semaphore(%run_scoped3A : memref<!tpu.dma_semaphore, #tpu.memory_space<semaphore_mem>>) src(%arg10 : memref<640x16xf32, #tpu.memory_space<vmem>>) dst(%dma_wait3A_31 : memref<640x16xf32, #tpu.memory_space<vmem_shared>>)
      tpu.yield
    }) : () -> ()
    "tpu.region"() ({
      %run_scoped3A = tpu.sem_alloc : memref<!tpu.dma_semaphore, #tpu.memory_space<semaphore_mem>>
      %dma_start3A_25 = arith.constant 0 : i32
      %dma_start3A_26 = arith.constant 0 : i32
      %dma_start3A_27 = tpu.memref_slice %arg3[%add3A, %dma_start3A_25, %dma_start3A_26] : memref<32x40x128xi32, #tpu.memory_space<hbm>> -> memref<1x40x128xi32, #tpu.memory_space<hbm>>
      %dma_start3A_28 = tpu.memref_squeeze %dma_start3A_27 : memref<1x40x128xi32, #tpu.memory_space<hbm>> -> memref<40x128xi32, #tpu.memory_space<hbm>>
      %dma_start3A_29 = arith.constant 0 : i32
      %dma_start3A_30 = arith.constant 0 : i32
      %dma_start3A_31 = tpu.memref_slice %arg3[%add3A, %dma_start3A_29, %dma_start3A_30] : memref<32x40x128xi32, #tpu.memory_space<hbm>> -> memref<1x40x128xi32, #tpu.memory_space<hbm>>
      %dma_start3A_32 = tpu.memref_squeeze %dma_start3A_31 : memref<1x40x128xi32, #tpu.memory_space<hbm>> -> memref<40x128xi32, #tpu.memory_space<hbm>>
      tpu.enqueue_dma source(%dma_start3A_32 : memref<40x128xi32, #tpu.memory_space<hbm>>) target(%arg6 : memref<40x128xi32, #tpu.memory_space<vmem>>) target_semaphore(%run_scoped3A : memref<!tpu.dma_semaphore, #tpu.memory_space<semaphore_mem>>)
      %dma_wait3A = arith.constant 0 : i32
      %dma_wait3A_33 = arith.constant 0 : i32
      %dma_wait3A_34 = tpu.memref_slice %arg3[%add3A, %dma_wait3A, %dma_wait3A_33] : memref<32x40x128xi32, #tpu.memory_space<hbm>> -> memref<1x40x128xi32, #tpu.memory_space<hbm>>
      %dma_wait3A_35 = tpu.memref_squeeze %dma_wait3A_34 : memref<1x40x128xi32, #tpu.memory_space<hbm>> -> memref<40x128xi32, #tpu.memory_space<hbm>>
      %dma_wait3A_36 = arith.constant 0 : i32
      %dma_wait3A_37 = arith.constant 0 : i32
      %dma_wait3A_38 = tpu.memref_slice %arg3[%add3A, %dma_wait3A_36, %dma_wait3A_37] : memref<32x40x128xi32, #tpu.memory_space<hbm>> -> memref<1x40x128xi32, #tpu.memory_space<hbm>>
      %dma_wait3A_39 = tpu.memref_squeeze %dma_wait3A_38 : memref<1x40x128xi32, #tpu.memory_space<hbm>> -> memref<40x128xi32, #tpu.memory_space<hbm>>
      tpu.wait_dma2 semaphore(%run_scoped3A : memref<!tpu.dma_semaphore, #tpu.memory_space<semaphore_mem>>) src(%dma_wait3A_39 : memref<40x128xi32, #tpu.memory_space<hbm>>) dst(%arg6 : memref<40x128xi32, #tpu.memory_space<vmem>>)
      tpu.yield
    }) : () -> ()
    "tpu.region"() ({
      %run_scoped3A = tpu.sem_alloc : memref<!tpu.dma_semaphore, #tpu.memory_space<semaphore_mem>>
      %dma_start3A_25 = arith.constant 0 : i32
      %dma_start3A_26 = arith.constant 0 : i32
      %dma_start3A_27 = tpu.memref_slice %arg4[%add3A, %dma_start3A_25, %dma_start3A_26] : memref<32x40x128xi32, #tpu.memory_space<hbm>> -> memref<1x40x128xi32, #tpu.memory_space<hbm>>
      %dma_start3A_28 = tpu.memref_squeeze %dma_start3A_27 : memref<1x40x128xi32, #tpu.memory_space<hbm>> -> memref<40x128xi32, #tpu.memory_space<hbm>>
      %dma_start3A_29 = arith.constant 0 : i32
      %dma_start3A_30 = arith.constant 0 : i32
      %dma_start3A_31 = tpu.memref_slice %arg4[%add3A, %dma_start3A_29, %dma_start3A_30] : memref<32x40x128xi32, #tpu.memory_space<hbm>> -> memref<1x40x128xi32, #tpu.memory_space<hbm>>
      %dma_start3A_32 = tpu.memref_squeeze %dma_start3A_31 : memref<1x40x128xi32, #tpu.memory_space<hbm>> -> memref<40x128xi32, #tpu.memory_space<hbm>>
      tpu.enqueue_dma source(%dma_start3A_32 : memref<40x128xi32, #tpu.memory_space<hbm>>) target(%arg7 : memref<40x128xi32, #tpu.memory_space<vmem>>) target_semaphore(%run_scoped3A : memref<!tpu.dma_semaphore, #tpu.memory_space<semaphore_mem>>)
      %dma_wait3A = arith.constant 0 : i32
      %dma_wait3A_33 = arith.constant 0 : i32
      %dma_wait3A_34 = tpu.memref_slice %arg4[%add3A, %dma_wait3A, %dma_wait3A_33] : memref<32x40x128xi32, #tpu.memory_space<hbm>> -> memref<1x40x128xi32, #tpu.memory_space<hbm>>
      %dma_wait3A_35 = tpu.memref_squeeze %dma_wait3A_34 : memref<1x40x128xi32, #tpu.memory_space<hbm>> -> memref<40x128xi32, #tpu.memory_space<hbm>>
      %dma_wait3A_36 = arith.constant 0 : i32
      %dma_wait3A_37 = arith.constant 0 : i32
      %dma_wait3A_38 = tpu.memref_slice %arg4[%add3A, %dma_wait3A_36, %dma_wait3A_37] : memref<32x40x128xi32, #tpu.memory_space<hbm>> -> memref<1x40x128xi32, #tpu.memory_space<hbm>>
      %dma_wait3A_39 = tpu.memref_squeeze %dma_wait3A_38 : memref<1x40x128xi32, #tpu.memory_space<hbm>> -> memref<40x128xi32, #tpu.memory_space<hbm>>
      tpu.wait_dma2 semaphore(%run_scoped3A : memref<!tpu.dma_semaphore, #tpu.memory_space<semaphore_mem>>) src(%dma_wait3A_39 : memref<40x128xi32, #tpu.memory_space<hbm>>) dst(%arg7 : memref<40x128xi32, #tpu.memory_space<vmem>>)
      tpu.yield
    }) : () -> ()
    %barrier3A = arith.constant 0 : index
    tpu.barrier barrier_id(%barrier3A)
    %dma_start3A = arith.constant 0 : i32
    %dma_start3A_8 = arith.constant 0 : i32
    %dma_start3A_9 = tpu.memref_slice %arg6[%dma_start3A, %dma_start3A_8] : memref<40x128xi32, #tpu.memory_space<vmem>> -> memref<1x128xi32, #tpu.memory_space<vmem>>
    %dma_start3A_10 = tpu.memref_squeeze %dma_start3A_9 : memref<1x128xi32, #tpu.memory_space<vmem>> -> memref<128xi32, #tpu.memory_space<vmem>>
    %dma_start3A_11 = arith.constant 0 : i32
    %dma_start3A_12 = arith.constant 0 : i32
    %dma_start3A_13 = tpu.memref_slice %arg2[%dma_start3A_11, %dma_start3A_12] : memref<10240x16xf32, #tpu.memory_space<hbm>> -> memref<10240x16xf32, #tpu.memory_space<hbm>>
    tpu.enqueue_indirect_dma source(%dma_start3A_13 : memref<10240x16xf32, #tpu.memory_space<hbm>>) target(%arg8 : memref<128x16xf32, #tpu.memory_space<vmem>>) offsets(%dma_start3A_10 : memref<128xi32, #tpu.memory_space<vmem>>) semaphore(%arg12 : memref<!tpu.dma_semaphore, #tpu.memory_space<semaphore_mem>>)
    %scan3A_14 = arith.constant 0 : i32
    %scan3A_15 = arith.constant 0 : i32
    %scan3A_16 = arith.constant 20 : i32
    %scan3A_17 = arith.addi %scan3A_15, %scan3A_16 : i32
    %scan3A_18 = arith.constant 1 : i32
    scf.for %scan3A_25 = %scan3A_15 to %scan3A_17 step %scan3A_18  : i32 {
      %mul3A_26 = arith.constant 2 : i32
      %mul3A_27 = arith.muli %mul3A_26, %scan3A_25 : i32
      %add3A_28 = arith.constant 1 : i32
      %add3A_29 = arith.addi %mul3A_27, %add3A_28 : i32
      %dma_wait3A = arith.constant 0 : i32
      %dma_wait3A_30 = tpu.memref_slice %arg6[%mul3A_27, %dma_wait3A] : memref<40x128xi32, #tpu.memory_space<vmem>> -> memref<1x128xi32, #tpu.memory_space<vmem>>
      %dma_wait3A_31 = tpu.memref_squeeze %dma_wait3A_30 : memref<1x128xi32, #tpu.memory_space<vmem>> -> memref<128xi32, #tpu.memory_space<vmem>>
      %dma_wait3A_32 = arith.constant 0 : i32
      %dma_wait3A_33 = arith.constant 0 : i32
      %dma_wait3A_34 = tpu.memref_slice %arg2[%dma_wait3A_32, %dma_wait3A_33] : memref<10240x16xf32, #tpu.memory_space<hbm>> -> memref<10240x16xf32, #tpu.memory_space<hbm>>
      tpu.wait_indirect_dma semaphore(%arg12 : memref<!tpu.dma_semaphore, #tpu.memory_space<semaphore_mem>>) src(%dma_wait3A_34 : memref<10240x16xf32, #tpu.memory_space<hbm>>) dst(%arg8 : memref<128x16xf32, #tpu.memory_space<vmem>>)
      %dma_start3A_35 = arith.constant 0 : i32
      %dma_start3A_36 = tpu.memref_slice %arg6[%add3A_29, %dma_start3A_35] : memref<40x128xi32, #tpu.memory_space<vmem>> -> memref<1x128xi32, #tpu.memory_space<vmem>>
      %dma_start3A_37 = tpu.memref_squeeze %dma_start3A_36 : memref<1x128xi32, #tpu.memory_space<vmem>> -> memref<128xi32, #tpu.memory_space<vmem>>
      %dma_start3A_38 = arith.constant 0 : i32
      %dma_start3A_39 = arith.constant 0 : i32
      %dma_start3A_40 = tpu.memref_slice %arg2[%dma_start3A_38, %dma_start3A_39] : memref<10240x16xf32, #tpu.memory_space<hbm>> -> memref<10240x16xf32, #tpu.memory_space<hbm>>
      tpu.enqueue_indirect_dma source(%dma_start3A_40 : memref<10240x16xf32, #tpu.memory_space<hbm>>) target(%arg9 : memref<128x16xf32, #tpu.memory_space<vmem>>) offsets(%dma_start3A_37 : memref<128xi32, #tpu.memory_space<vmem>>) semaphore(%arg13 : memref<!tpu.dma_semaphore, #tpu.memory_space<semaphore_mem>>)
      "tpu.region"() ({
        %run_scoped3A = tpu.sem_alloc : memref<!tpu.dma_semaphore, #tpu.memory_space<semaphore_mem>>
        %dma_start3A_51 = arith.constant 0 : i32
        %dma_start3A_52 = tpu.memref_slice %arg7[%mul3A_27, %dma_start3A_51] : memref<40x128xi32, #tpu.memory_space<vmem>> -> memref<1x128xi32, #tpu.memory_space<vmem>>
        %dma_start3A_53 = tpu.memref_squeeze %dma_start3A_52 : memref<1x128xi32, #tpu.memory_space<vmem>> -> memref<128xi32, #tpu.memory_space<vmem>>
        %dma_start3A_54 = arith.constant 0 : i32
        %dma_start3A_55 = arith.constant 0 : i32
        %dma_start3A_56 = tpu.memref_slice %arg11[%dma_start3A_54, %dma_start3A_55] : memref<10240x16xf32, #tpu.memory_space<vmem_shared>> -> memref<10240x16xf32, #tpu.memory_space<vmem_shared>>
        tpu.enqueue_indirect_dma source(%arg8 : memref<128x16xf32, #tpu.memory_space<vmem>>) target(%dma_start3A_56 : memref<10240x16xf32, #tpu.memory_space<vmem_shared>>) offsets(%dma_start3A_53 : memref<128xi32, #tpu.memory_space<vmem>>) semaphore(%run_scoped3A : memref<!tpu.dma_semaphore, #tpu.memory_space<semaphore_mem>>) {add = true}
        %dma_wait3A_57 = arith.constant 0 : i32
        %dma_wait3A_58 = tpu.memref_slice %arg7[%mul3A_27, %dma_wait3A_57] : memref<40x128xi32, #tpu.memory_space<vmem>> -> memref<1x128xi32, #tpu.memory_space<vmem>>
        %dma_wait3A_59 = tpu.memref_squeeze %dma_wait3A_58 : memref<1x128xi32, #tpu.memory_space<vmem>> -> memref<128xi32, #tpu.memory_space<vmem>>
        %dma_wait3A_60 = arith.constant 0 : i32
        %dma_wait3A_61 = arith.constant 0 : i32
        %dma_wait3A_62 = tpu.memref_slice %arg11[%dma_wait3A_60, %dma_wait3A_61] : memref<10240x16xf32, #tpu.memory_space<vmem_shared>> -> memref<10240x16xf32, #tpu.memory_space<vmem_shared>>
        tpu.wait_indirect_dma semaphore(%run_scoped3A : memref<!tpu.dma_semaphore, #tpu.memory_space<semaphore_mem>>) src(%arg8 : memref<128x16xf32, #tpu.memory_space<vmem>>) dst(%dma_wait3A_62 : memref<10240x16xf32, #tpu.memory_space<vmem_shared>>)
        tpu.yield
      }) : () -> ()
      %dma_wait3A_41 = arith.constant 0 : i32
      %dma_wait3A_42 = tpu.memref_slice %arg6[%add3A_29, %dma_wait3A_41] : memref<40x128xi32, #tpu.memory_space<vmem>> -> memref<1x128xi32, #tpu.memory_space<vmem>>
      %dma_wait3A_43 = tpu.memref_squeeze %dma_wait3A_42 : memref<1x128xi32, #tpu.memory_space<vmem>> -> memref<128xi32, #tpu.memory_space<vmem>>
      %dma_wait3A_44 = arith.constant 0 : i32
      %dma_wait3A_45 = arith.constant 0 : i32
      %dma_wait3A_46 = tpu.memref_slice %arg2[%dma_wait3A_44, %dma_wait3A_45] : memref<10240x16xf32, #tpu.memory_space<hbm>> -> memref<10240x16xf32, #tpu.memory_space<hbm>>
      tpu.wait_indirect_dma semaphore(%arg13 : memref<!tpu.dma_semaphore, #tpu.memory_space<semaphore_mem>>) src(%dma_wait3A_46 : memref<10240x16xf32, #tpu.memory_space<hbm>>) dst(%arg9 : memref<128x16xf32, #tpu.memory_space<vmem>>)
      %add3A_47 = arith.constant 1 : i32
      %add3A_48 = arith.addi %scan3A_25, %add3A_47 : i32
      %lt3A = arith.constant 20 : i32
      %lt3A_49 = arith.cmpi slt, %add3A_48, %lt3A : i32
      %convert_element_type3A = arith.extui %lt3A_49 : i1 to i32
      %cond3A = arith.constant 0 : i32
      %cond3A_50 = arith.cmpi ne, %convert_element_type3A, %cond3A : i32
      scf.if %cond3A_50 {
        %add3A_51 = arith.constant 2 : i32
        %add3A_52 = arith.addi %mul3A_27, %add3A_51 : i32
        %dma_start3A_53 = arith.constant 0 : i32
        %dma_start3A_54 = tpu.memref_slice %arg6[%add3A_52, %dma_start3A_53] : memref<40x128xi32, #tpu.memory_space<vmem>> -> memref<1x128xi32, #tpu.memory_space<vmem>>
        %dma_start3A_55 = tpu.memref_squeeze %dma_start3A_54 : memref<1x128xi32, #tpu.memory_space<vmem>> -> memref<128xi32, #tpu.memory_space<vmem>>
        %dma_start3A_56 = arith.constant 0 : i32
        %dma_start3A_57 = arith.constant 0 : i32
        %dma_start3A_58 = tpu.memref_slice %arg2[%dma_start3A_56, %dma_start3A_57] : memref<10240x16xf32, #tpu.memory_space<hbm>> -> memref<10240x16xf32, #tpu.memory_space<hbm>>
        tpu.enqueue_indirect_dma source(%dma_start3A_58 : memref<10240x16xf32, #tpu.memory_space<hbm>>) target(%arg8 : memref<128x16xf32, #tpu.memory_space<vmem>>) offsets(%dma_start3A_55 : memref<128xi32, #tpu.memory_space<vmem>>) semaphore(%arg12 : memref<!tpu.dma_semaphore, #tpu.memory_space<semaphore_mem>>)
      } else {
      }
      "tpu.region"() ({
        %run_scoped3A = tpu.sem_alloc : memref<!tpu.dma_semaphore, #tpu.memory_space<semaphore_mem>>
        %dma_start3A_51 = arith.constant 0 : i32
        %dma_start3A_52 = tpu.memref_slice %arg7[%add3A_29, %dma_start3A_51] : memref<40x128xi32, #tpu.memory_space<vmem>> -> memref<1x128xi32, #tpu.memory_space<vmem>>
        %dma_start3A_53 = tpu.memref_squeeze %dma_start3A_52 : memref<1x128xi32, #tpu.memory_space<vmem>> -> memref<128xi32, #tpu.memory_space<vmem>>
        %dma_start3A_54 = arith.constant 0 : i32
        %dma_start3A_55 = arith.constant 0 : i32
        %dma_start3A_56 = tpu.memref_slice %arg11[%dma_start3A_54, %dma_start3A_55] : memref<10240x16xf32, #tpu.memory_space<vmem_shared>> -> memref<10240x16xf32, #tpu.memory_space<vmem_shared>>
        tpu.enqueue_indirect_dma source(%arg9 : memref<128x16xf32, #tpu.memory_space<vmem>>) target(%dma_start3A_56 : memref<10240x16xf32, #tpu.memory_space<vmem_shared>>) offsets(%dma_start3A_53 : memref<128xi32, #tpu.memory_space<vmem>>) semaphore(%run_scoped3A : memref<!tpu.dma_semaphore, #tpu.memory_space<semaphore_mem>>) {add = true}
        %dma_wait3A_57 = arith.constant 0 : i32
        %dma_wait3A_58 = tpu.memref_slice %arg7[%add3A_29, %dma_wait3A_57] : memref<40x128xi32, #tpu.memory_space<vmem>> -> memref<1x128xi32, #tpu.memory_space<vmem>>
        %dma_wait3A_59 = tpu.memref_squeeze %dma_wait3A_58 : memref<1x128xi32, #tpu.memory_space<vmem>> -> memref<128xi32, #tpu.memory_space<vmem>>
        %dma_wait3A_60 = arith.constant 0 : i32
        %dma_wait3A_61 = arith.constant 0 : i32
        %dma_wait3A_62 = tpu.memref_slice %arg11[%dma_wait3A_60, %dma_wait3A_61] : memref<10240x16xf32, #tpu.memory_space<vmem_shared>> -> memref<10240x16xf32, #tpu.memory_space<vmem_shared>>
        tpu.wait_indirect_dma semaphore(%run_scoped3A : memref<!tpu.dma_semaphore, #tpu.memory_space<semaphore_mem>>) src(%arg9 : memref<128x16xf32, #tpu.memory_space<vmem>>) dst(%dma_wait3A_62 : memref<10240x16xf32, #tpu.memory_space<vmem_shared>>)
        tpu.yield
      }) : () -> ()
    }
    %scan3A_19 = arith.constant 20 : i32
    %barrier3A_20 = arith.constant 0 : index
    tpu.barrier barrier_id(%barrier3A_20)
    %mul3A_21 = arith.constant 640 : i32
    %mul3A_22 = arith.muli %arg1, %mul3A_21 : i32
    %mul3A_23 = arith.constant 640 : i32
    %mul3A_24 = arith.muli %arg1, %mul3A_23 : i32
    "tpu.region"() ({
      %run_scoped3A = tpu.sem_alloc : memref<!tpu.dma_semaphore, #tpu.memory_space<semaphore_mem>>
      %dma_start3A_25 = arith.constant 0 : i32
      %dma_start3A_26 = tpu.memref_slice %arg5[%arg0, %mul3A_24, %dma_start3A_25] : memref<2x10240x16xf32, #tpu.memory_space<hbm>> -> memref<1x640x16xf32, #tpu.memory_space<hbm>>
      %dma_start3A_27 = tpu.memref_squeeze %dma_start3A_26 : memref<1x640x16xf32, #tpu.memory_space<hbm>> -> memref<640x16xf32, #tpu.memory_space<hbm>>
      %dma_start3A_28 = arith.constant 0 : i32
      %dma_start3A_29 = tpu.memref_slice %arg11[%mul3A_22, %dma_start3A_28] : memref<10240x16xf32, #tpu.memory_space<vmem_shared>> -> memref<640x16xf32, #tpu.memory_space<vmem_shared>>
      tpu.enqueue_dma source(%dma_start3A_29 : memref<640x16xf32, #tpu.memory_space<vmem_shared>>) target(%dma_start3A_27 : memref<640x16xf32, #tpu.memory_space<hbm>>) target_semaphore(%run_scoped3A : memref<!tpu.dma_semaphore, #tpu.memory_space<semaphore_mem>>)
      %dma_wait3A = arith.constant 0 : i32
      %dma_wait3A_30 = tpu.memref_slice %arg5[%arg0, %mul3A_24, %dma_wait3A] : memref<2x10240x16xf32, #tpu.memory_space<hbm>> -> memref<1x640x16xf32, #tpu.memory_space<hbm>>
      %dma_wait3A_31 = tpu.memref_squeeze %dma_wait3A_30 : memref<1x640x16xf32, #tpu.memory_space<hbm>> -> memref<640x16xf32, #tpu.memory_space<hbm>>
      %dma_wait3A_32 = arith.constant 0 : i32
      %dma_wait3A_33 = tpu.memref_slice %arg11[%mul3A_22, %dma_wait3A_32] : memref<10240x16xf32, #tpu.memory_space<vmem_shared>> -> memref<640x16xf32, #tpu.memory_space<vmem_shared>>
      tpu.wait_dma2 semaphore(%run_scoped3A : memref<!tpu.dma_semaphore, #tpu.memory_space<semaphore_mem>>) src(%dma_wait3A_33 : memref<640x16xf32, #tpu.memory_space<vmem_shared>>) dst(%dma_wait3A_31 : memref<640x16xf32, #tpu.memory_space<hbm>>)
      tpu.yield
    }) : () -> ()
    return
  }
}

module attributes {stable_mosaic.version = 14 : i64} {
  func.func @_mm1_body(%arg0: i32, %arg1: memref<1024x128xf32, #tpu.memory_space<vmem>>, %arg2: memref<128x16xf32, #tpu.memory_space<vmem>>, %arg3: memref<1024x16xf32, #tpu.memory_space<vmem>>) attributes {dimension_semantics = [#tpu.dimension_semantics<arbitrary>], iteration_bounds = array<i64: 10>, scalar_prefetch = 0 : i64, scratch_operands = 0 : i64, tpu.core_type = #tpu.core_type<tc>, window_params = [{transform_indices = @transform_0, window_bounds = array<i64: 1024, 128>}, {pipeline_mode = #tpu.pipeline_mode<synchronous>, transform_indices = @transform_1, window_bounds = array<i64: 128, 16>}, {transform_indices = @transform_2, window_bounds = array<i64: 1024, 16>}]} {
    %get3A = arith.constant 0 : index
    %get3A_0 = arith.constant 0 : index
    %get3A_1 = vector.load %arg1[%get3A, %get3A_0] : memref<1024x128xf32, #tpu.memory_space<vmem>>, vector<1024x128xf32>
    %get3A_2 = arith.constant 0 : index
    %get3A_3 = arith.constant 0 : index
    %get3A_4 = vector.load %arg2[%get3A_2, %get3A_3] : memref<128x16xf32, #tpu.memory_space<vmem>>, vector<128x16xf32>
    %dot_general3A = arith.constant dense<0.000000e+00> : vector<1024x16xf32>
    %dot_general3A_5 = tpu.matmul %get3A_1, %get3A_4, %dot_general3A {dimension_numbers = #tpu.dot_dimension_numbers<[1], [0], [0], [1], [0, 0, 1, 1], [], []>, transpose_lhs_hint = false} : vector<1024x128xf32>, vector<128x16xf32>, vector<1024x16xf32> -> vector<1024x16xf32>
    %swap3A = arith.constant 0 : index
    %swap3A_6 = arith.constant 0 : index
    %swap3A_7 = vector.load %arg3[%swap3A, %swap3A_6] : memref<1024x16xf32, #tpu.memory_space<vmem>>, vector<1024x16xf32>
    tpu.vector_store %arg3[%swap3A, %swap3A_6], %dot_general3A_5 {strides = array<i32>} : memref<1024x16xf32, #tpu.memory_space<vmem>>, vector<1024x16xf32>,
    return
  }
  func.func @transform_0(%arg0: i32) -> (i32, i32) {
    %c0_i32 = arith.constant 0 : i32
    %c0_i32_0 = arith.constant 0 : i32
    return %arg0, %c0_i32 : i32, i32
  }
  func.func @transform_1(%arg0: i32) -> (i32, i32) {
    %c0_i32 = arith.constant 0 : i32
    %c0_i32_0 = arith.constant 0 : i32
    %c0_i32_1 = arith.constant 0 : i32
    return %c0_i32, %c0_i32_0 : i32, i32
  }
  func.func @transform_2(%arg0: i32) -> (i32, i32) {
    %c0_i32 = arith.constant 0 : i32
    %c0_i32_0 = arith.constant 0 : i32
    return %arg0, %c0_i32 : i32, i32
  }
}

module attributes {stable_mosaic.version = 14 : i64} {
  func.func @_scale1_body(%arg0: i32, %arg1: memref<1024x2xf32, #tpu.memory_space<vmem>>, %arg2: memref<1024x16xf32, #tpu.memory_space<vmem>>, %arg3: memref<1024x16xf32, #tpu.memory_space<vmem>>) attributes {dimension_semantics = [#tpu.dimension_semantics<arbitrary>], iteration_bounds = array<i64: 10>, scalar_prefetch = 0 : i64, scratch_operands = 0 : i64, tpu.core_type = #tpu.core_type<tc>, window_params = [{transform_indices = @transform_0, window_bounds = array<i64: 1024, 2>}, {transform_indices = @transform_1, window_bounds = array<i64: 1024, 16>}, {transform_indices = @transform_2, window_bounds = array<i64: 1024, 16>}]} {
    %get3A = arith.constant 0 : index
    %get3A_0 = arith.constant 0 : index
    %get3A_1 = vector.load %arg1[%get3A, %get3A_0] : memref<1024x2xf32, #tpu.memory_space<vmem>>, vector<1024x1xf32>
    %get3A_2 = arith.constant 0 : index
    %get3A_3 = arith.constant 1 : index
    %get3A_4 = vector.load %arg1[%get3A_2, %get3A_3] : memref<1024x2xf32, #tpu.memory_space<vmem>>, vector<1024x1xf32>
    %add3A = arith.addf %get3A_1, %get3A_4 : vector<1024x1xf32>
    %add3A_5 = arith.constant 1.000000e+00 : f32
    %add3A_6 = vector.broadcast %add3A_5 : f32 to vector<1024x1xf32>
    %add3A_7 = arith.addf %add3A, %add3A_6 : vector<1024x1xf32>
    %rsqrt3A = math.rsqrt %add3A_7 : vector<1024x1xf32>
    %get3A_8 = arith.constant 0 : index
    %get3A_9 = arith.constant 0 : index
    %get3A_10 = vector.load %arg2[%get3A_8, %get3A_9] : memref<1024x16xf32, #tpu.memory_space<vmem>>, vector<1024x16xf32>
    %mul3A = vector.broadcast %rsqrt3A : vector<1024x1xf32> to vector<1024x16xf32>
    %mul3A_11 = arith.mulf %get3A_10, %mul3A : vector<1024x16xf32>
    %swap3A = arith.constant 0 : index
    %swap3A_12 = arith.constant 0 : index
    %swap3A_13 = vector.load %arg3[%swap3A, %swap3A_12] : memref<1024x16xf32, #tpu.memory_space<vmem>>, vector<1024x16xf32>
    tpu.vector_store %arg3[%swap3A, %swap3A_12], %mul3A_11 {strides = array<i32>} : memref<1024x16xf32, #tpu.memory_space<vmem>>, vector<1024x16xf32>,
    return
  }
  func.func @transform_0(%arg0: i32) -> (i32, i32) {
    %c0_i32 = arith.constant 0 : i32
    %c0_i32_0 = arith.constant 0 : i32
    return %arg0, %c0_i32 : i32, i32
  }
  func.func @transform_1(%arg0: i32) -> (i32, i32) {
    %c0_i32 = arith.constant 0 : i32
    %c0_i32_0 = arith.constant 0 : i32
    return %arg0, %c0_i32 : i32, i32
  }
  func.func @transform_2(%arg0: i32) -> (i32, i32) {
    %c0_i32 = arith.constant 0 : i32
    %c0_i32_0 = arith.constant 0 : i32
    return %arg0, %c0_i32 : i32, i32
  }
}

module attributes {stable_mosaic.version = 14 : i64} {
  func.func @_l2_body(%arg0: i32, %arg1: memref<2x1024x16xf32, #tpu.memory_space<vmem>>, %arg2: memref<1024x2xf32, #tpu.memory_space<vmem>>, %arg3: memref<1024x16xf32, #tpu.memory_space<vmem>>, %arg4: memref<1x16xf32, #tpu.memory_space<vmem>>, %arg5: memref<16x16xf32, #tpu.memory_space<vmem>>, %arg6: memref<1024x16xf32, #tpu.memory_space<vmem>>, %arg7: memref<1024x16xf32, #tpu.memory_space<vmem>>) attributes {dimension_semantics = [#tpu.dimension_semantics<arbitrary>], iteration_bounds = array<i64: 10>, scalar_prefetch = 0 : i64, scratch_operands = 0 : i64, tpu.core_type = #tpu.core_type<tc>, window_params = [{transform_indices = @transform_0, window_bounds = array<i64: 2, 1024, 16>}, {transform_indices = @transform_1, window_bounds = array<i64: 1024, 2>}, {transform_indices = @transform_2, window_bounds = array<i64: 1024, 16>}, {pipeline_mode = #tpu.pipeline_mode<synchronous>, transform_indices = @transform_3, window_bounds = array<i64: 1, 16>}, {pipeline_mode = #tpu.pipeline_mode<synchronous>, transform_indices = @transform_4, window_bounds = array<i64: 16, 16>}, {transform_indices = @transform_5, window_bounds = array<i64: 1024, 16>}, {transform_indices = @transform_6, window_bounds = array<i64: 1024, 16>}]} {
    %get3A = arith.constant 0 : index
    %get3A_0 = arith.constant 0 : index
    %get3A_1 = vector.load %arg2[%get3A, %get3A_0] : memref<1024x2xf32, #tpu.memory_space<vmem>>, vector<1024x1xf32>
    %get3A_2 = arith.constant 0 : index
    %get3A_3 = arith.constant 1 : index
    %get3A_4 = vector.load %arg2[%get3A_2, %get3A_3] : memref<1024x2xf32, #tpu.memory_space<vmem>>, vector<1024x1xf32>
    %add3A = arith.addf %get3A_1, %get3A_4 : vector<1024x1xf32>
    %add3A_5 = arith.constant 1.000000e+00 : f32
    %add3A_6 = vector.broadcast %add3A_5 : f32 to vector<1024x1xf32>
    %add3A_7 = arith.addf %add3A, %add3A_6 : vector<1024x1xf32>
    %rsqrt3A = math.rsqrt %add3A_7 : vector<1024x1xf32>
    %get3A_8 = arith.constant 0 : index
    %get3A_9 = arith.constant 0 : index
    %get3A_10 = arith.constant 0 : index
    %get3A_11 = vector.load %arg1[%get3A_8, %get3A_9, %get3A_10] : memref<2x1024x16xf32, #tpu.memory_space<vmem>>, vector<1x1024x16xf32>
    %get3A_12 = vector.shape_cast %get3A_11 : vector<1x1024x16xf32> to vector<1024x16xf32>
    %get3A_13 = arith.constant 1 : index
    %get3A_14 = arith.constant 0 : index
    %get3A_15 = arith.constant 0 : index
    %get3A_16 = vector.load %arg1[%get3A_13, %get3A_14, %get3A_15] : memref<2x1024x16xf32, #tpu.memory_space<vmem>>, vector<1x1024x16xf32>
    %get3A_17 = vector.shape_cast %get3A_16 : vector<1x1024x16xf32> to vector<1024x16xf32>
    %add3A_18 = arith.addf %get3A_12, %get3A_17 : vector<1024x16xf32>
    %mul3A = vector.broadcast %rsqrt3A : vector<1024x1xf32> to vector<1024x16xf32>
    %mul3A_19 = arith.mulf %mul3A, %add3A_18 : vector<1024x16xf32>
    %mul3A_20 = arith.mulf %rsqrt3A, %rsqrt3A : vector<1024x1xf32>
    %get3A_21 = arith.constant 0 : index
    %get3A_22 = arith.constant 0 : index
    %get3A_23 = vector.load %arg3[%get3A_21, %get3A_22] : memref<1024x16xf32, #tpu.memory_space<vmem>>, vector<1024x16xf32>
    %mul3A_24 = vector.broadcast %mul3A_20 : vector<1024x1xf32> to vector<1024x16xf32>
    %mul3A_25 = arith.mulf %mul3A_24, %get3A_23 : vector<1024x16xf32>
    %add3A_26 = arith.addf %mul3A_19, %mul3A_25 : vector<1024x16xf32>
    %get3A_27 = arith.constant 0 : index
    %get3A_28 = arith.constant 0 : index
    %get3A_29 = vector.load %arg4[%get3A_27, %get3A_28] : memref<1x16xf32, #tpu.memory_space<vmem>>, vector<1x16xf32>
    %add3A_30 = vector.broadcast %get3A_29 : vector<1x16xf32> to vector<1024x16xf32>
    %add3A_31 = arith.addf %add3A_26, %add3A_30 : vector<1024x16xf32>
    %max3A = arith.constant 0.000000e+00 : f32
    %max3A_32 = vector.broadcast %max3A : f32 to vector<1024x16xf32>
    %max3A_33 = arith.maximumf %add3A_31, %max3A_32 : vector<1024x16xf32>
    %get3A_34 = arith.constant 0 : index
    %get3A_35 = arith.constant 0 : index
    %get3A_36 = vector.load %arg5[%get3A_34, %get3A_35] : memref<16x16xf32, #tpu.memory_space<vmem>>, vector<16x16xf32>
    %dot_general3A = arith.constant dense<0.000000e+00> : vector<1024x16xf32>
    %dot_general3A_37 = tpu.matmul %max3A_33, %get3A_36, %dot_general3A {dimension_numbers = #tpu.dot_dimension_numbers<[1], [0], [0], [1], [0, 0, 1, 1], [], []>, transpose_lhs_hint = false} : vector<1024x16xf32>, vector<16x16xf32>, vector<1024x16xf32> -> vector<1024x16xf32>
    %swap3A = arith.constant 0 : index
    %swap3A_38 = arith.constant 0 : index
    %swap3A_39 = vector.load %arg7[%swap3A, %swap3A_38] : memref<1024x16xf32, #tpu.memory_space<vmem>>, vector<1024x16xf32>
    tpu.vector_store %arg7[%swap3A, %swap3A_38], %dot_general3A_37 {strides = array<i32>} : memref<1024x16xf32, #tpu.memory_space<vmem>>, vector<1024x16xf32>,
    %mul3A_40 = vector.broadcast %rsqrt3A : vector<1024x1xf32> to vector<1024x16xf32>
    %mul3A_41 = arith.mulf %dot_general3A_37, %mul3A_40 : vector<1024x16xf32>
    %swap3A_42 = arith.constant 0 : index
    %swap3A_43 = arith.constant 0 : index
    %swap3A_44 = vector.load %arg6[%swap3A_42, %swap3A_43] : memref<1024x16xf32, #tpu.memory_space<vmem>>, vector<1024x16xf32>
    tpu.vector_store %arg6[%swap3A_42, %swap3A_43], %mul3A_41 {strides = array<i32>} : memref<1024x16xf32, #tpu.memory_space<vmem>>, vector<1024x16xf32>,
    return
  }
  func.func @transform_0(%arg0: i32) -> (i32, i32, i32) {
    %c0_i32 = arith.constant 0 : i32
    %c0_i32_0 = arith.constant 0 : i32
    %c0_i32_1 = arith.constant 0 : i32
    return %c0_i32, %arg0, %c0_i32_0 : i32, i32, i32
  }
  func.func @transform_1(%arg0: i32) -> (i32, i32) {
    %c0_i32 = arith.constant 0 : i32
    %c0_i32_0 = arith.constant 0 : i32
    return %arg0, %c0_i32 : i32, i32
  }
  func.func @transform_2(%arg0: i32) -> (i32, i32) {
    %c0_i32 = arith.constant 0 : i32
    %c0_i32_0 = arith.constant 0 : i32
    return %arg0, %c0_i32 : i32, i32
  }
  func.func @transform_3(%arg0: i32) -> (i32, i32) {
    %c0_i32 = arith.constant 0 : i32
    %c0_i32_0 = arith.constant 0 : i32
    %c0_i32_1 = arith.constant 0 : i32
    return %c0_i32, %c0_i32_0 : i32, i32
  }
  func.func @transform_4(%arg0: i32) -> (i32, i32) {
    %c0_i32 = arith.constant 0 : i32
    %c0_i32_0 = arith.constant 0 : i32
    %c0_i32_1 = arith.constant 0 : i32
    return %c0_i32, %c0_i32_0 : i32, i32
  }
  func.func @transform_5(%arg0: i32) -> (i32, i32) {
    %c0_i32 = arith.constant 0 : i32
    %c0_i32_0 = arith.constant 0 : i32
    return %arg0, %c0_i32 : i32, i32
  }
  func.func @transform_6(%arg0: i32) -> (i32, i32) {
    %c0_i32 = arith.constant 0 : i32
    %c0_i32_0 = arith.constant 0 : i32
    return %arg0, %c0_i32 : i32, i32
  }
}

module attributes {stable_mosaic.version = 14 : i64} {
  func.func @_zlogp_body(%arg0: i32, %arg1: memref<2x400x16xf32, #tpu.memory_space<vmem>>, %arg2: memref<400x2xf32, #tpu.memory_space<vmem>>, %arg3: memref<400x16xf32, #tpu.memory_space<vmem>>, %arg4: memref<1x16xf32, #tpu.memory_space<vmem>>, %arg5: memref<400x16xf32, #tpu.memory_space<vmem>>, %arg6: memref<400x16xf32, #tpu.memory_space<vmem>>) attributes {dimension_semantics = [#tpu.dimension_semantics<arbitrary>], iteration_bounds = array<i64: 25>, scalar_prefetch = 0 : i64, scratch_operands = 0 : i64, tpu.core_type = #tpu.core_type<tc>, window_params = [{transform_indices = @transform_0, window_bounds = array<i64: 2, 400, 16>}, {transform_indices = @transform_1, window_bounds = array<i64: 400, 2>}, {transform_indices = @transform_2, window_bounds = array<i64: 400, 16>}, {pipeline_mode = #tpu.pipeline_mode<synchronous>, transform_indices = @transform_3, window_bounds = array<i64: 1, 16>}, {transform_indices = @transform_4, window_bounds = array<i64: 400, 16>}, {transform_indices = @transform_5, window_bounds = array<i64: 400, 16>}]} {
    %get3A = arith.constant 0 : index
    %get3A_0 = arith.constant 0 : index
    %get3A_1 = vector.load %arg2[%get3A, %get3A_0] : memref<400x2xf32, #tpu.memory_space<vmem>>, vector<400x1xf32>
    %get3A_2 = arith.constant 0 : index
    %get3A_3 = arith.constant 1 : index
    %get3A_4 = vector.load %arg2[%get3A_2, %get3A_3] : memref<400x2xf32, #tpu.memory_space<vmem>>, vector<400x1xf32>
    %add3A = arith.addf %get3A_1, %get3A_4 : vector<400x1xf32>
    %add3A_5 = arith.constant 1.000000e+00 : f32
    %add3A_6 = vector.broadcast %add3A_5 : f32 to vector<400x1xf32>
    %add3A_7 = arith.addf %add3A, %add3A_6 : vector<400x1xf32>
    %rsqrt3A = math.rsqrt %add3A_7 : vector<400x1xf32>
    %get3A_8 = arith.constant 0 : index
    %get3A_9 = arith.constant 0 : index
    %get3A_10 = arith.constant 0 : index
    %get3A_11 = vector.load %arg1[%get3A_8, %get3A_9, %get3A_10] : memref<2x400x16xf32, #tpu.memory_space<vmem>>, vector<1x400x16xf32>
    %get3A_12 = vector.shape_cast %get3A_11 : vector<1x400x16xf32> to vector<400x16xf32>
    %get3A_13 = arith.constant 1 : index
    %get3A_14 = arith.constant 0 : index
    %get3A_15 = arith.constant 0 : index
    %get3A_16 = vector.load %arg1[%get3A_13, %get3A_14, %get3A_15] : memref<2x400x16xf32, #tpu.memory_space<vmem>>, vector<1x400x16xf32>
    %get3A_17 = vector.shape_cast %get3A_16 : vector<1x400x16xf32> to vector<400x16xf32>
    %add3A_18 = arith.addf %get3A_12, %get3A_17 : vector<400x16xf32>
    %mul3A = vector.broadcast %rsqrt3A : vector<400x1xf32> to vector<400x16xf32>
    %mul3A_19 = arith.mulf %mul3A, %add3A_18 : vector<400x16xf32>
    %mul3A_20 = arith.mulf %rsqrt3A, %rsqrt3A : vector<400x1xf32>
    %get3A_21 = arith.constant 0 : index
    %get3A_22 = arith.constant 0 : index
    %get3A_23 = vector.load %arg3[%get3A_21, %get3A_22] : memref<400x16xf32, #tpu.memory_space<vmem>>, vector<400x16xf32>
    %mul3A_24 = vector.broadcast %mul3A_20 : vector<400x1xf32> to vector<400x16xf32>
    %mul3A_25 = arith.mulf %mul3A_24, %get3A_23 : vector<400x16xf32>
    %add3A_26 = arith.addf %mul3A_19, %mul3A_25 : vector<400x16xf32>
    %get3A_27 = arith.constant 0 : index
    %get3A_28 = arith.constant 0 : index
    %get3A_29 = vector.load %arg4[%get3A_27, %get3A_28] : memref<1x16xf32, #tpu.memory_space<vmem>>, vector<1x16xf32>
    %add3A_30 = vector.broadcast %get3A_29 : vector<1x16xf32> to vector<400x16xf32>
    %add3A_31 = arith.addf %add3A_26, %add3A_30 : vector<400x16xf32>
    %swap3A = arith.constant 0 : index
    %swap3A_32 = arith.constant 0 : index
    %swap3A_33 = vector.load %arg5[%swap3A, %swap3A_32] : memref<400x16xf32, #tpu.memory_space<vmem>>, vector<400x16xf32>
    tpu.vector_store %arg5[%swap3A, %swap3A_32], %add3A_31 {strides = array<i32>} : memref<400x16xf32, #tpu.memory_space<vmem>>, vector<400x16xf32>,
    %reduce_max3A = arith.constant dense<0xFF800000> : vector<400xf32>
    %reduce_max3A_34 = vector.multi_reduction <maximumf>, %add3A_31, %reduce_max3A [1] : vector<400x16xf32> to vector<400xf32>
    %broadcast_in_dim3A = vector.shape_cast %reduce_max3A_34 : vector<400xf32> to vector<400x1xf32>
    %sub3A = vector.broadcast %broadcast_in_dim3A : vector<400x1xf32> to vector<400x16xf32>
    %sub3A_35 = arith.subf %add3A_31, %sub3A : vector<400x16xf32>
    %exp3A = math.exp %sub3A_35 : vector<400x16xf32>
    %reduce_sum3A = arith.constant dense<0.000000e+00> : vector<400xf32>
    %reduce_sum3A_36 = vector.multi_reduction <add>, %exp3A, %reduce_sum3A [1] : vector<400x16xf32> to vector<400xf32>
    %broadcast_in_dim3A_37 = vector.shape_cast %reduce_sum3A_36 : vector<400xf32> to vector<400x1xf32>
    %log3A = math.log %broadcast_in_dim3A_37 : vector<400x1xf32>
    %add3A_38 = arith.addf %log3A, %broadcast_in_dim3A : vector<400x1xf32>
    %sub3A_39 = vector.broadcast %add3A_38 : vector<400x1xf32> to vector<400x16xf32>
    %sub3A_40 = arith.subf %add3A_31, %sub3A_39 : vector<400x16xf32>
    %swap3A_41 = arith.constant 0 : index
    %swap3A_42 = arith.constant 0 : index
    %swap3A_43 = vector.load %arg6[%swap3A_41, %swap3A_42] : memref<400x16xf32, #tpu.memory_space<vmem>>, vector<400x16xf32>
    tpu.vector_store %arg6[%swap3A_41, %swap3A_42], %sub3A_40 {strides = array<i32>} : memref<400x16xf32, #tpu.memory_space<vmem>>, vector<400x16xf32>,
    return
  }
  func.func @transform_0(%arg0: i32) -> (i32, i32, i32) {
    %c0_i32 = arith.constant 0 : i32
    %c0_i32_0 = arith.constant 0 : i32
    %c0_i32_1 = arith.constant 0 : i32
    return %c0_i32, %arg0, %c0_i32_0 : i32, i32, i32
  }
  func.func @transform_1(%arg0: i32) -> (i32, i32) {
    %c0_i32 = arith.constant 0 : i32
    %c0_i32_0 = arith.constant 0 : i32
    return %arg0, %c0_i32 : i32, i32
  }
  func.func @transform_2(%arg0: i32) -> (i32, i32) {
    %c0_i32 = arith.constant 0 : i32
    %c0_i32_0 = arith.constant 0 : i32
    return %arg0, %c0_i32 : i32, i32
  }
  func.func @transform_3(%arg0: i32) -> (i32, i32) {
    %c0_i32 = arith.constant 0 : i32
    %c0_i32_0 = arith.constant 0 : i32
    %c0_i32_1 = arith.constant 0 : i32
    return %c0_i32, %c0_i32_0 : i32, i32
  }
  func.func @transform_4(%arg0: i32) -> (i32, i32) {
    %c0_i32 = arith.constant 0 : i32
    %c0_i32_0 = arith.constant 0 : i32
    return %arg0, %c0_i32 : i32, i32
  }
  func.func @transform_5(%arg0: i32) -> (i32, i32) {
    %c0_i32 = arith.constant 0 : i32
    %c0_i32_0 = arith.constant 0 : i32
    return %arg0, %c0_i32 : i32, i32
  }
}

module attributes {stable_mosaic.version = 14 : i64} {
  func.func @_decoder_body(%arg0: i32, %arg1: memref<200x16xf32, #tpu.memory_space<vmem>>, %arg2: memref<10000x16xf32, #tpu.memory_space<vmem>>, %arg3: memref<200x10000xf32, #tpu.memory_space<vmem>>) attributes {dimension_semantics = [#tpu.dimension_semantics<arbitrary>], iteration_bounds = array<i64: 50>, scalar_prefetch = 0 : i64, scratch_operands = 0 : i64, tpu.core_type = #tpu.core_type<tc>, window_params = [{transform_indices = @transform_0, window_bounds = array<i64: 200, 16>}, {pipeline_mode = #tpu.pipeline_mode<synchronous>, transform_indices = @transform_1, window_bounds = array<i64: 10000, 16>}, {transform_indices = @transform_2, window_bounds = array<i64: 200, 10000>}]} {
    %get3A = arith.constant 0 : index
    %get3A_0 = arith.constant 0 : index
    %get3A_1 = vector.load %arg1[%get3A, %get3A_0] : memref<200x16xf32, #tpu.memory_space<vmem>>, vector<200x16xf32>
    %get3A_2 = arith.constant 0 : index
    %get3A_3 = arith.constant 0 : index
    %get3A_4 = vector.load %arg2[%get3A_2, %get3A_3] : memref<10000x16xf32, #tpu.memory_space<vmem>>, vector<10000x16xf32>
    %dot_general3A = arith.constant dense<0.000000e+00> : vector<200x10000xf32>
    %dot_general3A_5 = tpu.matmul %get3A_1, %get3A_4, %dot_general3A {dimension_numbers = #tpu.dot_dimension_numbers<[1], [1], [0], [0], [0, 0, 1, 0], [], []>, transpose_lhs_hint = false} : vector<200x16xf32>, vector<10000x16xf32>, vector<200x10000xf32> -> vector<200x10000xf32>
    %swap3A = arith.constant 0 : index
    %swap3A_6 = arith.constant 0 : index
    %swap3A_7 = vector.load %arg3[%swap3A, %swap3A_6] : memref<200x10000xf32, #tpu.memory_space<vmem>>, vector<200x10000xf32>
    tpu.vector_store %arg3[%swap3A, %swap3A_6], %dot_general3A_5 {strides = array<i32>} : memref<200x10000xf32, #tpu.memory_space<vmem>>, vector<200x10000xf32>,
    return
  }
  func.func @transform_0(%arg0: i32) -> (i32, i32) {
    %c0_i32 = arith.constant 0 : i32
    %c0_i32_0 = arith.constant 0 : i32
    return %arg0, %c0_i32 : i32, i32
  }
  func.func @transform_1(%arg0: i32) -> (i32, i32) {
    %c0_i32 = arith.constant 0 : i32
    %c0_i32_0 = arith.constant 0 : i32
    %c0_i32_1 = arith.constant 0 : i32
    return %c0_i32, %c0_i32_0 : i32, i32
  }
  func.func @transform_2(%arg0: i32) -> (i32, i32) {
    %c0_i32 = arith.constant 0 : i32
    %c0_i32_0 = arith.constant 0 : i32
    return %arg0, %c0_i32 : i32, i32
  }
}

</mosaic_0001>

<sc_bundles>
// kernel: kernel.10.cloned.1.call-start
scs
__scs_entry_jumppad:
0x0: {  	(pc) =	sbr.rel $0x88, $3  }
0x1: {  	(tag) =	ssettag $0x0;
	lr =	simm.s32 $0x1  }
0x2: {  	[smem:$0x3F9B] =	sst lr;
	_ =	strace $0xD0000000  }
0x3: {  	_ = 	snop  }
0x4: {  	_ = 	snop  }
0x5: {  	_ = 	snop  }
0x6: {  	_ = 	snop  }
0x7: {  	_ = 	snop  }
__scs_overlays_trampoline_lowered:
0x8: {  	[smem:$0x3FAA] =	sst s0  }
0x9: {  	[smem:$0x3FAB] =	sst s1  }
0xa: {  	[smem:$0x3FAC] =	sst s2  }
0xb: {  	[smem:$0x3FAD] =	sst s3  }
0xc: {  	[smem:$0x3FAE] =	sst s4  }
0xd: {  	[smem:$0x3FAF] =	sst s5  }
0xe: {  	[smem:$0x3FB0] =	sst s6  }
0xf: {  	[smem:$0x3FB1] =	sst s7  }
0x10: {  	[smem:$0x3FB2] =	sst s8  }
0x11: {  	[smem:$0x3FB3] =	sst s9;
	s0 =	simm.s32 @!p0 $0x0  }
0x12: {  	s1 =	sld [smem:$0x3F99];
	s0 =	simm.s32 @p0 $0x1  }
0x13: {  	[smem:$0x3FB4] =	sst s0;
	s0 =	simm.s32 @!p1 $0x0  }
0x14: {  	s2 =	sld [smem:$0x3F98];
	s0 =	simm.s32 @p1 $0x1  }
0x15: {  	[smem:$0x3FB5] =	sst s0;
	s0 =	simm.s32 @!p2 $0x0  }
0x16: {  	s3 =	sld [smem:$0x3FDB];
	s0 =	simm.s32 @p2 $0x1  }
0x17: {  	s4 =	simm.s32 $0x1BF5;
	[smem:$0x3FB7] =	sst s0  }
0x18: {  	s0 =	sld [smem:$0x3F9A];
	_ =	swait.ge [sflag:s4], $0x0  }
0x19: {  	s7 =	sld [smem:$0x3F9B]  }
0x1a: {  	s8 =	sadd.s32 $0xFFFFE003, lr  }
0x1b: {  	s9 =	sadd.s32 $0xFFFFFEF7, lr;
	s5 =	simm.s32 $0xFFFFFFFF;
	p2 =	slt.u32 s8, $0xFFFFF086  }
0x1c: {  	p1 =	slt.u32 s9, $0xF7A;
	s5 =	simm.s32 @!p2 $0x0  }
0x1d: {  	s5 =	simm.s32 @p1 $0x1;
	p0 =	seq.s32 s7, s2  }
0x1e: {  	s7 =	smul.u32 @!p0 $0xF7A, s2;
	p2 =	seq.s32 @!p0 s5, $0x0  }
0x1f: {  	s9 =	smul.u32 $0xF7A, s1;
	s8 =	simm.s32 @!p0 $0x1BF5;
	p2 =	por !p2, p0  }
0x20: {  	[sflag:s8] =	ssyncset.s32 @!p0 $0xFFFFF086;
	s6 =	sadd.s32 @!p0 s3, s7;
	s7 =	simm.s32 @!p0 $0x108  }
0x21: {  	s3 =	sadd.s32 s3, s9;
	s6 =	sadd.s32 @!p0 $0x88, s6;
	s7 =	simm.s32 @p2 $0x1082  }
0x22: {  	[simem:s7], [sflag:s8] =	dma.local @!p0 [hbm:s6], $0xF7A  }
0x23: {  	s9 =	sor.u32 $0xD0000000, s2;
	s6 =	simm.s32 $0x108;
	_ =	swait.ge @!p0 [sflag:s8], $0x0  }
0x24: {  	s3 =	sadd.s32 $0x88, s3;
	s6 =	simm.s32 @!p1 $0x1082;
	[sflag:s4] =	ssyncset.s32 $0xFFFFF086  }
0x25: {  	[simem:s6], [sflag:s4] =	dma.local [hbm:s3], $0xF7A  }
0x26: {  	[smem:$0x3F9B] =	sst s1;
	(tag) =	ssettag s2;
	_ =	strace s9  }
0x27: {  	s1 =	sld [smem:$0x3FAB]  }
0x28: {  	s2 =	sld [smem:$0x3FAC]  }
0x29: {  	s4 =	sld [smem:$0x3FAE]  }
0x2a: {  	p0 =	seq.s32 s5, $0x0;
	s5 =	sld [smem:$0x3FAF]  }
0x2b: {  	s6 =	sld [smem:$0x3FB0]  }
0x2c: {  	s7 =	sld [smem:$0x3FB1]  }
0x2d: {  	s3 =	simm.s32 $0x108;
	s8 =	sld [smem:$0x3FB2]  }
0x2e: {  	s3 =	simm.s32 @!p0 $0x1082;
	s9 =	sld [smem:$0x3FB3]  }
0x2f: {  	lr =	sadd.s32 s0, s3;
	s0 =	sld [smem:$0x3FAA]  }
0x30: {  	s3 =	sld [smem:$0x3FAD]  }
0x31: {  	[smem:$0x3FB6] =	sst s10  }
0x32: {  	s10 =	sld [smem:$0x3FB4];
	_ =	sdelay $0x3  }
0x33: {  	p0 =	seq.s32 s10, $0x1;
	s10 =	sld [smem:$0x3FB6];
	_ =	sdelay $0x3  }
0x34: {  	[smem:$0x3FB6] =	sst s10  }
0x35: {  	s10 =	sld [smem:$0x3FB5];
	_ =	sdelay $0x3  }
0x36: {  	p1 =	seq.s32 s10, $0x1;
	s10 =	sld [smem:$0x3FB6];
	_ =	sdelay $0x3  }
0x37: {  	[smem:$0x3FB6] =	sst s10  }
0x38: {  	s10 =	sld [smem:$0x3FB7]  }
0x39: {  	_ = 	snop;
	(pc) =	sbr.ind lr, $3  }
0x3a: {  	_ = 	snop  }
0x3b: {  	_ = 	snop  }
0x3c: {  	p2 =	seq.s32 s10, $0x1;
	s10 =	sld [smem:$0x3FB6]  }
0x3d: {  	_ =	shalt  }
0x3e: {  	_ =	shalt  }
0x3f: {  	_ =	shalt  }
0x40: {  	_ =	shalt  }
0x41: {  	_ =	shalt  }
0x42: {  	_ =	shalt  }
0x43: {  	_ =	shalt  }
0x44: {  	_ =	shalt  }
0x45: {  	_ =	shalt  }
0x46: {  	_ =	shalt  }
0x47: {  	_ =	shalt  }
0x48: {  	_ =	shalt  }
0x49: {  	_ =	shalt  }
0x4a: {  	_ =	shalt  }
0x4b: {  	_ =	shalt  }
0x4c: {  	_ =	shalt  }
0x4d: {  	_ =	shalt  }
0x4e: {  	_ =	shalt  }
0x4f: {  	_ =	shalt  }
0x50: {  	_ =	shalt  }
0x51: {  	_ =	shalt  }
0x52: {  	_ =	shalt  }
0x53: {  	_ =	shalt  }
0x54: {  	_ =	shalt  }
0x55: {  	_ =	shalt  }
0x56: {  	_ =	shalt  }
0x57: {  	_ =	shalt  }
0x58: {  	_ =	shalt  }
0x59: {  	_ =	shalt  }
0x5a: {  	_ =	shalt  }
0x5b: {  	_ =	shalt  }
0x5c: {  	_ =	shalt  }
0x5d: {  	_ =	shalt  }
0x5e: {  	_ =	shalt  }
0x5f: {  	_ =	shalt  }
0x60: {  	_ =	shalt  }
0x61: {  	_ =	shalt  }
0x62: {  	_ =	shalt  }
0x63: {  	_ =	shalt  }
0x64: {  	_ =	shalt  }
0x65: {  	_ =	shalt  }
0x66: {  	_ =	shalt  }
0x67: {  	_ =	shalt  }
0x68: {  	_ =	shalt  }
0x69: {  	_ =	shalt  }
0x6a: {  	_ =	shalt  }
0x6b: {  	_ =	shalt  }
0x6c: {  	_ =	shalt  }
0x6d: {  	_ =	shalt  }
0x6e: {  	_ =	shalt  }
0x6f: {  	_ =	shalt  }
0x70: {  	_ =	shalt  }
0x71: {  	_ =	shalt  }
0x72: {  	_ =	shalt  }
0x73: {  	_ =	shalt  }
0x74: {  	_ =	shalt  }
0x75: {  	_ =	shalt  }
0x76: {  	_ =	shalt  }
0x77: {  	_ =	shalt  }
0x78: {  	_ =	shalt  }
0x79: {  	_ =	shalt  }
0x7a: {  	_ =	shalt  }
0x7b: {  	_ =	shalt  }
0x7c: {  	_ =	shalt  }
0x7d: {  	_ =	shalt  }
0x7e: {  	_ =	shalt  }
0x7f: {  	_ =	shalt  }
0x80: {  	_ =	shalt  }
0x81: {  	_ =	shalt  }
0x82: {  	_ =	shalt  }
0x83: {  	_ =	shalt  }
0x84: {  	_ =	shalt  }
0x85: {  	_ =	shalt  }
0x86: {  	_ =	shalt  }
0x87: {  	_ =	shalt  }
.Lfunc_end0:
.L_simem_size_0:
called_computation_lowered:
.L_overlay_start_0:
0x88: {  	s2 =	sld [smem:$0x3FD9]  }
0x89: {  	s3 =	sld [smem:$0x3FFE];
	_ =	sdelay $0x1  }
0x8a: {  	s1 =	srdreg.scid  }
0x8b: {  	s0 =	sand.u32 $0x1, s1  }
0x8c: {  	s14 =	sshll.u32 s0, $0xA;
	s2 =	sadd.s32 s3, s2  }
0x8d: {  	s2 =	sadd.s32 s2, s14  }
0x8e: {  	[smem:$0x3FC2] =	sst s2  }
0x8f: {  	_ = 	snop  }
0x90: {  	s2 =	sld [smem:$0x3FD0];
	_ =	sdelay $0x2  }
0x91: {  	s15 =	simm.s32 $0xA;
	s4 =	simm.s32 $0x10  }
0x92: {  	[smem:s4], [sflag:s15] =	dma.local [hbm:s2], $0x1  }
0x93: {  	_ =	swait.eq [sflag:s15], $0x1  }
0x94: {  	[sflag:s15] =	ssyncset.done $0x0  }
0x95: {  	[sflag:s15] =	ssyncadd.s32 $0xFFFFFFFF  }
0x96: {  	s16 =	sld [smem:$0x10];
	(tm) =	ssettm $0x1  }
0x97: {  	s17 =	sld [smem:$0x3FFB];
	_ =	sdelay $0x3  }
0x98: {  	_ =	strace s17  }
0x99: {  	s3 =	sld [smem:$0x3FFC];
	_ =	sdelay $0x3  }
0x9a: {  	_ =	strace s3  }
0x9b: {  	s3 =	sld [smem:$0x3FFD];
	_ =	sdelay $0x3  }
0x9c: {  	_ =	strace s3  }
0x9d: {  	_ =	strace $0x8FFFFFFF  }
0x9e: {  	s18 =	sld [smem:$0x3FDB];
	_ =	sdelay $0x1  }
0x9f: {  	s19 =	simm.s32 $_scs_section_size  }
0xa0: {  	s5 =	simm.s32 $_size__tile_overlayer_lowered;
	s6 =	simm.s32 $_tile_overlayer_lowered  }
0xa1: {  	s22 =	simm.s32 $0x1BFF;
	s21 =	sshll.u32 s6, $0x1;
	s3 =	sadd.s32 s19, s18  }
0xa2: {  	s7 =	simm.s32 $0x0;
	s20 =	sshll.u32 s5, $0x1;
	s5 =	sadd.s32 s21, s3  }
0xa3: {  	[timem:s7], [sflag:s22] =	dma.local [hbm:s5], s20  }
0xa4: {  	_ =	swait.ge [sflag:s22], s20  }
0xa5: {  	s4 =	ssub.s32 $0x0, s20;
	[sflag:s22] =	ssyncset.done $0x0  }
0xa6: {  	[sflag:s22] =	ssyncadd.s32 s4;
	_ =	sdelay $0x1  }
0xa7: {  	s23 =	simm.s32 $0x1B8B  }
0xa8: {  	_ =	swait.ge [sflag:s23], $0x1  }
0xa9: {  	[sflag:s23] =	ssyncset.done $0x0  }
0xaa: {  	s25 =	simm.s32 $0x1B8E;
	s24 =	sld [smem:$0x3FFE];
	[sflag:s23] =	ssyncadd.s32 $0xFFFFFFFF  }
0xab: {  	s26 =	simm.s32 $execute0_lowered;
	[smem:$0x3FD2] =	sst s25  }
0xac: {  	s5 =	sshll.u32 s26, $0x1;
	_ =	strace $0x80000046;
	[dreg:$0x1] =	wrdreg $0xFFFFFFFF  }
0xad: {  	s28 =	simm.s32 $_size_execute0_lowered;
	s3 =	sadd.s32 s3, s5;
	[dreg:$0x0] =	wrdreg $0x0  }
0xae: {  	s5 =	sshll.u32 s28, $0x1;
	[dreg:$0x2] =	wrdreg s3  }
0xaf: {  	[dreg:$0x3] =	wrdreg s5  }
0xb0: {  	[dreg:$0x4] =	wrdreg $0xC0  }
0xb1: {  	_ =	task [dreg:s7], $0x5FFFF  }
0xb2: {  	[dreg:$0x1] =	wrdreg $0xFFFFFFFF  }
0xb3: {  	[dreg:$0x0] =	wrdreg $0x60  }
0xb4: {  	[dreg:$0x2] =	wrdreg s24  }
0xb5: {  	[dreg:$0x3] =	wrdreg s16  }
0xb6: {  	[dreg:$0x4] =	wrdreg $0x17000  }
0xb7: {  	[dreg:$0x5] =	wrdreg $0x9  }
0xb8: {  	_ =	task.clear_ibuf [dreg:s7], $0x6FFFF;
	_ =	strace $0x90000046  }
0xb9: {  	s29 =	simm.s32 $0x9;
	_ =	strace $0x80000048  }
0xba: {  	_ =	swait.ge [sflag:s29], $0x1  }
0xbb: {  	[sflag:s29] =	ssyncadd.s32 $0xFFFFFFFF  }
0xbc: {  	_ =	strace $0x90000048  }
0xbd: {  	_ =	sfence  }
0xbe: {  	s30 =	sld [smem:$0x0];
	_ =	sdelay $0x2  }
0xbf: {  	s31 =	sshll.u32 s1, $0xD;
	s1 =	sshrl.u32 s1, $0x2  }
0xc0: {  	s3 =	sand.u32 $0x4000, s31;
	s1 =	sadd.s32 s1, s30  }
0xc1: {  	s0 =	sor.u32 s3, s0;
	s1 =	sshll.u32 s1, $0x11  }
0xc2: {  	s0 =	sor.u32 s1, s0  }
0xc3: {  	s0 =	sadd.s32 $0x8F2B, s0  }
0xc4: {  	[sflag:s0] =	ssyncadd.remote.s32 $0x1  }
0xc5: {  	_ =	sfence.sel $0xFFFF  }
0xc6: {  	[dreg:$0x0] =	wrdreg $0xFFFFFFFF;
	(pc) =	sbr.abs _section_cstart, $3  }
0xc7: {  	[dreg:$0x1] =	wrdreg $0xFFFFFFFF  }
0xc8: {  	_ =	task.clear_ibuf [dreg:s7], $0x2FFFF;
	_ =	strace $0x9FFFFFFF  }
0xc9: {  	(tm) =	ssettm $0x7FFFFFFF  }
tec
execute0_lowered:
.L_overlay_start_1:
0x0: {  	(tag) =	ssettag $0x1  }
0x1: {  	s4 =	rddreg [dreg:$0x0];
	s1 =	srdreg.scid  }
0x2: {  	s0 =	stileid.u32;
	s6 =	rddreg [dreg:$0x1]  }
0x3: {  	s2 =	rddreg [dreg:$0x2];
	s3 =	simm.s32 $0x0;
	s11 =	simm.s32 $0x1400  }
0x4: {  	s14 =	simm.s32 $0x20;
	s15 =	simm.s32 $0x10;
	s16 =	simm.s32 $0x0  }
0x5: {  	s5 =	sand.u32 $0x1, s1;
	s1 =	rddreg [dreg:$0x3];
	s8 =	smul.u32 $0xA00, s0  }
0x6: {  	s26 =	sshll.u32 s0, $0x1;
	[smem:$0x7FF] =	sst s3;
	s10 =	smul.u32 $0x500, s0  }
0x7: {  	s12 =	sshll.u32 s0, $0x6;
	s7 =	sor.u32 s5, s26;
	_ =	strace $0x80000047  }
0x8: {  	s9 =	ssub.s32 $0x2, s5;
	s5 =	sshll.u32 s5, $0x7;
	s12 =	sor.u32 $0x1C01, s12  }
0x9: {  	s7 =	smul.u32 $0x280, s7;
	s28 =	sshrl.u32 s9, $0x1;
	s29 =	sshrl.u32 s8, $0x2  }
0xa: {  	s30 =	sor.u32 s5, s10;
	s8 =	simm.s32 $0x1480;
	s10 =	simm.s32 $0x80  }
0xb: {  	s9 =	ssub.s32 s9, s28;
	s31 =	sshrl.u32 s30, $0x3;
	s7 =	sadd.s32 s7, s4  }
0xc: {  	s4 =	sadd.s32 s29, s2;
	s6 =	sadd.s32 s6, s31;
	s5 =	sadd.s32 $0x6400, s7  }
0xd: {  	v0 =	vimm.f32 $1.000000000e+00;
	v1 =	vimm.f32 $0.0e+00;
	s7 =	smax.u32 s9, $0x1;
	s9 =	simm.s32 $0x1;
	s13 =	sshrl.u32 s4, $0x3  }
.LBB2_1:
0xe: {  	[tilespmem:$0x1400] =	vst v0  }
0xf: {  	[tilespmem:$0x1410] =	vst v0  }
0x10: {  	[tilespmem:$0x1420] =	vst v0  }
0x11: {  	[tilespmem:$0x1430] =	vst v0  }
0x12: {  	[tilespmem:$0x1440] =	vst v0  }
0x13: {  	[tilespmem:$0x1450] =	vst v0  }
0x14: {  	[tilespmem:$0x1460] =	vst v0  }
0x15: {  	[tilespmem:$0x1470] =	vst v0  }
0x16: {  	[tilespmem:$0x1480] =	vst v1  }
0x17: {  	[tilespmem:$0x1490] =	vst v1  }
0x18: {  	[tilespmem:$0x14A0] =	vst v1  }
0x19: {  	[tilespmem:$0x14B0] =	vst v1  }
0x1a: {  	[tilespmem:$0x14C0] =	vst v1  }
0x1b: {  	[tilespmem:$0x14D0] =	vst v1  }
0x1c: {  	[tilespmem:$0x14E0] =	vst v1  }
0x1d: {  	[tilespmem:$0x14F0] =	vst v1  }
0x1e: {  	[tilespmem:$0x1500] =	vst v1  }
0x1f: {  	[tilespmem:$0x1510] =	vst v1  }
0x20: {  	[tilespmem:$0x1520] =	vst v1  }
0x21: {  	[tilespmem:$0x1530] =	vst v1  }
0x22: {  	[tilespmem:$0x1540] =	vst v1  }
0x23: {  	[tilespmem:$0x1550] =	vst v1  }
0x24: {  	[tilespmem:$0x1560] =	vst v1  }
0x25: {  	[tilespmem:$0x1570] =	vst v1  }
0x26: {  	[tilespmem:$0x1580] =	vst v1  }
0x27: {  	[tilespmem:$0x1590] =	vst v1  }
0x28: {  	[tilespmem:$0x15A0] =	vst v1  }
0x29: {  	[tilespmem:$0x15B0] =	vst v1  }
0x2a: {  	[tilespmem:$0x15C0] =	vst v1  }
0x2b: {  	[tilespmem:$0x15D0] =	vst v1  }
0x2c: {  	[tilespmem:$0x15E0] =	vst v1  }
0x2d: {  	[tilespmem:$0x15F0] =	vst v1  }
0x2e: {  	[tilespmem:$0x1600] =	vst v1  }
0x2f: {  	[tilespmem:$0x1610] =	vst v1  }
0x30: {  	[tilespmem:$0x1620] =	vst v1  }
0x31: {  	[tilespmem:$0x1630] =	vst v1  }
0x32: {  	[tilespmem:$0x1640] =	vst v1  }
0x33: {  	[tilespmem:$0x1650] =	vst v1  }
0x34: {  	[tilespmem:$0x1660] =	vst v1  }
0x35: {  	[tilespmem:$0x1670] =	vst v1  }
0x36: {  	[tilespmem:$0x1680] =	vst v1  }
0x37: {  	[tilespmem:$0x1690] =	vst v1  }
0x38: {  	[tilespmem:$0x16A0] =	vst v1  }
0x39: {  	[tilespmem:$0x16B0] =	vst v1  }
0x3a: {  	[tilespmem:$0x16C0] =	vst v1  }
0x3b: {  	[tilespmem:$0x16D0] =	vst v1  }
0x3c: {  	[tilespmem:$0x16E0] =	vst v1  }
0x3d: {  	[tilespmem:$0x16F0] =	vst v1  }
0x3e: {  	[spmem:s4] =	stream.linear.scatter [tilespmem:s8], [sflag:$0x1], $0x280, $0x38;
	[tilespmem:$0x1980] =	vst v63  }
0x3f: {  	_ =	swait.ge [sflag:s9], $0x280  }
0x40: {  	[sflag:s9] =	ssyncset.done $0x0  }
0x41: {  	[sflag:s9] =	ssyncadd.s32 $0xFFFFFD80  }
0x42: {  	[tilespmem:s3], [sflag:$0x1] =	stream.linear.gather [hbm4b:s5+s3], $0x1400, $0x38;
	[tilespmem:$0x1980] =	vst v63  }
0x43: {  	_ =	swait.ge [sflag:s9], $0x1400  }
0x44: {  	[sflag:s9] =	ssyncset.done $0x0  }
0x45: {  	[sflag:s9] =	ssyncadd.s32 $0xFFFFEC00  }
0x46: {  	s17 =	simm.s32 $0x0;
	[bflag:$0x0] =	sbarrier.arrive $0xFFFF  }
0x47: {  	[spmem:s2] =	stream.indirect.scatter.add.f32 [tilespmem:s11], [sflag:$0x1], $0x1, s17, s10, $0xb8;
	[tilespmem:$0x1980] =	vst v63  }
0x48: {  	_ =	swait.ge [sflag:s9], $0x80  }
0x49: {  	s17 =	simm.s32 $0x200;
	[sflag:s9] =	ssyncset.done $0x0  }
.LBB2_2:
0x4a: {  	s18 =	sshra.s32 s17, $0x2;
	[sflag:s9] =	ssyncadd.s32 $0xFFFFFF80;
	p0 =	sne.s32 s17, $0x4E00  }
0x4b: {  	[spmem:s2] =	stream.indirect.scatter.add.f32 [tilespmem:s11], [sflag:$0x1], $0x1, s18, s10, $0xb8;
	[tilespmem:$0x1980] =	vst v63  }
.Ltmp0:
0x4c: {  	_ = 	snop;
	(pc) =	sbr.rel @p0 .LBB2_2-.Ltmp0, $4  }
0x4d: {  	_ = 	snop  }
0x4e: {  	s17 =	sadd.s32 $0x200, s17  }
0x4f: {  	_ =	swait.ge [sflag:s9], $0x80  }
0x50: {  	[sflag:s9] =	ssyncset.done $0x0  }
0x51: {  	s16 =	sadd.s32 $0x1, s16  }
0x52: {  	[sflag:s9] =	ssyncadd.s32 $0xFFFFFF80;
	p0 =	sne.s32 s16, s7  }
.Ltmp1:
0x53: {  	[bflag:$0x0] =	sbarrier.arrive $0xFFFF;
	(pc) =	sbr.rel @p0 .LBB2_1-.Ltmp1, $4  }
0x54: {  	[hbm:s6@s14], [sflag:s12] =	dma.strided [spmem:s13@s15], $0x50, s9, $0x10   }
0x55: {  	_ =	swait.ge [sflag:s9], $0x50  }
0x56: {  	[sflag:s9] =	ssyncset.done $0x0  }
0x57: {  	[sflag:s9] =	ssyncadd.s32 $0xFFFFFFB0  }
0x58: {  	_ =	sfence.sel $0x180000  }
0x59: {  	[bflag:$0x0] =	sbarrier.arrive $0xFFFF  }
0x5a: {  	p0 =	sne.s32 s0, $0x0;
	_ =	strace $0x90000047  }
0x5b: {  	s0 =	sadd.s32 @!p0 $0x100000, s1;
	[bflag:$0x2] =	sbarrier.arrive $0xFFFF  }
0x5c: {  	[sflag:s0] =	ssyncadd.tile.s32 @!p0 $0x1;
	_ =	shalt  }
.Lfunc_end2:
_tile_overlayer_lowered:
.L_overlay_start_2:
0x5d: {  	(tag) =	ssettag $0x2  }
0x5e: {  	s0 =	rddreg [dreg:$0x0];
	s2 =	stileid.u32  }
0x5f: {  	s1 =	rddreg [dreg:$0x1];
	p0 =	sne.s32 s2, $0x0  }
0x60: {  	s3 =	rddreg [dreg:$0x2];
	[bflag:$0x3] =	sbarrier.arrive $0xFFFF;
	s2 =	simm.s32 @!p0 $0x1C01  }
0x61: {  	[timem:s3], [sflag:s2] =	dma.local @!p0 [hbm:s0], s1  }
0x62: {  	s0 =	simm.s32 @!p0 $0x1  }
0x63: {  	_ =	swait.ge @!p0 [sflag:s0], s1  }
0x64: {  	s1 =	ssub.s32 @!p0 $0x0, s1;
	[sflag:s0] =	ssyncset.done @!p0 $0x0  }
0x65: {  	[sflag:s0] =	ssyncadd.s32 @!p0 s1  }
0x66: {  	[bflag:$0x3] =	sbarrier.arrive $0xFFFF  }
0x67: {  	_ =	shalt  }

// kernel: kernel.13.cloned.1.call-start
scs
__scs_entry_jumppad:
0x0: {  	(pc) =	sbr.rel $0x88, $3  }
0x1: {  	(tag) =	ssettag $0x0;
	lr =	simm.s32 $0x1  }
0x2: {  	[smem:$0x3F9B] =	sst lr;
	_ =	strace $0xD0000000  }
0x3: {  	_ = 	snop  }
0x4: {  	_ = 	snop  }
0x5: {  	_ = 	snop  }
0x6: {  	_ = 	snop  }
0x7: {  	_ = 	snop  }
__scs_overlays_trampoline_lowered:
0x8: {  	[smem:$0x3FAA] =	sst s0  }
0x9: {  	[smem:$0x3FAB] =	sst s1  }
0xa: {  	[smem:$0x3FAC] =	sst s2  }
0xb: {  	[smem:$0x3FAD] =	sst s3  }
0xc: {  	[smem:$0x3FAE] =	sst s4  }
0xd: {  	[smem:$0x3FAF] =	sst s5  }
0xe: {  	[smem:$0x3FB0] =	sst s6  }
0xf: {  	[smem:$0x3FB1] =	sst s7  }
0x10: {  	[smem:$0x3FB2] =	sst s8  }
0x11: {  	[smem:$0x3FB3] =	sst s9;
	s0 =	simm.s32 @!p0 $0x0  }
0x12: {  	s1 =	sld [smem:$0x3F99];
	s0 =	simm.s32 @p0 $0x1  }
0x13: {  	[smem:$0x3FB4] =	sst s0;
	s0 =	simm.s32 @!p1 $0x0  }
0x14: {  	s2 =	sld [smem:$0x3F98];
	s0 =	simm.s32 @p1 $0x1  }
0x15: {  	[smem:$0x3FB5] =	sst s0;
	s0 =	simm.s32 @!p2 $0x0  }
0x16: {  	s3 =	sld [smem:$0x3FDB];
	s0 =	simm.s32 @p2 $0x1  }
0x17: {  	s4 =	simm.s32 $0x1BF5;
	[smem:$0x3FB7] =	sst s0  }
0x18: {  	s0 =	sld [smem:$0x3F9A];
	_ =	swait.ge [sflag:s4], $0x0  }
0x19: {  	s7 =	sld [smem:$0x3F9B]  }
0x1a: {  	s8 =	sadd.s32 $0xFFFFE003, lr  }
0x1b: {  	s9 =	sadd.s32 $0xFFFFFEF7, lr;
	s5 =	simm.s32 $0xFFFFFFFF;
	p2 =	slt.u32 s8, $0xFFFFF086  }
0x1c: {  	p1 =	slt.u32 s9, $0xF7A;
	s5 =	simm.s32 @!p2 $0x0  }
0x1d: {  	s5 =	simm.s32 @p1 $0x1;
	p0 =	seq.s32 s7, s2  }
0x1e: {  	s7 =	smul.u32 @!p0 $0xF7A, s2;
	p2 =	seq.s32 @!p0 s5, $0x0  }
0x1f: {  	s9 =	smul.u32 $0xF7A, s1;
	s8 =	simm.s32 @!p0 $0x1BF5;
	p2 =	por !p2, p0  }
0x20: {  	[sflag:s8] =	ssyncset.s32 @!p0 $0xFFFFF086;
	s6 =	sadd.s32 @!p0 s3, s7;
	s7 =	simm.s32 @!p0 $0x108  }
0x21: {  	s3 =	sadd.s32 s3, s9;
	s6 =	sadd.s32 @!p0 $0x88, s6;
	s7 =	simm.s32 @p2 $0x1082  }
0x22: {  	[simem:s7], [sflag:s8] =	dma.local @!p0 [hbm:s6], $0xF7A  }
0x23: {  	s9 =	sor.u32 $0xD0000000, s2;
	s6 =	simm.s32 $0x108;
	_ =	swait.ge @!p0 [sflag:s8], $0x0  }
0x24: {  	s3 =	sadd.s32 $0x88, s3;
	s6 =	simm.s32 @!p1 $0x1082;
	[sflag:s4] =	ssyncset.s32 $0xFFFFF086  }
0x25: {  	[simem:s6], [sflag:s4] =	dma.local [hbm:s3], $0xF7A  }
0x26: {  	[smem:$0x3F9B] =	sst s1;
	(tag) =	ssettag s2;
	_ =	strace s9  }
0x27: {  	s1 =	sld [smem:$0x3FAB]  }
0x28: {  	s2 =	sld [smem:$0x3FAC]  }
0x29: {  	s4 =	sld [smem:$0x3FAE]  }
0x2a: {  	p0 =	seq.s32 s5, $0x0;
	s5 =	sld [smem:$0x3FAF]  }
0x2b: {  	s6 =	sld [smem:$0x3FB0]  }
0x2c: {  	s7 =	sld [smem:$0x3FB1]  }
0x2d: {  	s3 =	simm.s32 $0x108;
	s8 =	sld [smem:$0x3FB2]  }
0x2e: {  	s3 =	simm.s32 @!p0 $0x1082;
	s9 =	sld [smem:$0x3FB3]  }
0x2f: {  	lr =	sadd.s32 s0, s3;
	s0 =	sld [smem:$0x3FAA]  }
0x30: {  	s3 =	sld [smem:$0x3FAD]  }
0x31: {  	[smem:$0x3FB6] =	sst s10  }
0x32: {  	s10 =	sld [smem:$0x3FB4];
	_ =	sdelay $0x3  }
0x33: {  	p0 =	seq.s32 s10, $0x1;
	s10 =	sld [smem:$0x3FB6];
	_ =	sdelay $0x3  }
0x34: {  	[smem:$0x3FB6] =	sst s10  }
0x35: {  	s10 =	sld [smem:$0x3FB5];
	_ =	sdelay $0x3  }
0x36: {  	p1 =	seq.s32 s10, $0x1;
	s10 =	sld [smem:$0x3FB6];
	_ =	sdelay $0x3  }
0x37: {  	[smem:$0x3FB6] =	sst s10  }
0x38: {  	s10 =	sld [smem:$0x3FB7]  }
0x39: {  	_ = 	snop;
	(pc) =	sbr.ind lr, $3  }
0x3a: {  	_ = 	snop  }
0x3b: {  	_ = 	snop  }
0x3c: {  	p2 =	seq.s32 s10, $0x1;
	s10 =	sld [smem:$0x3FB6]  }
0x3d: {  	_ =	shalt  }
0x3e: {  	_ =	shalt  }
0x3f: {  	_ =	shalt  }
0x40: {  	_ =	shalt  }
0x41: {  	_ =	shalt  }
0x42: {  	_ =	shalt  }
0x43: {  	_ =	shalt  }
0x44: {  	_ =	shalt  }
0x45: {  	_ =	shalt  }
0x46: {  	_ =	shalt  }
0x47: {  	_ =	shalt  }
0x48: {  	_ =	shalt  }
0x49: {  	_ =	shalt  }
0x4a: {  	_ =	shalt  }
0x4b: {  	_ =	shalt  }
0x4c: {  	_ =	shalt  }
0x4d: {  	_ =	shalt  }
0x4e: {  	_ =	shalt  }
0x4f: {  	_ =	shalt  }
0x50: {  	_ =	shalt  }
0x51: {  	_ =	shalt  }
0x52: {  	_ =	shalt  }
0x53: {  	_ =	shalt  }
0x54: {  	_ =	shalt  }
0x55: {  	_ =	shalt  }
0x56: {  	_ =	shalt  }
0x57: {  	_ =	shalt  }
0x58: {  	_ =	shalt  }
0x59: {  	_ =	shalt  }
0x5a: {  	_ =	shalt  }
0x5b: {  	_ =	shalt  }
0x5c: {  	_ =	shalt  }
0x5d: {  	_ =	shalt  }
0x5e: {  	_ =	shalt  }
0x5f: {  	_ =	shalt  }
0x60: {  	_ =	shalt  }
0x61: {  	_ =	shalt  }
0x62: {  	_ =	shalt  }
0x63: {  	_ =	shalt  }
0x64: {  	_ =	shalt  }
0x65: {  	_ =	shalt  }
0x66: {  	_ =	shalt  }
0x67: {  	_ =	shalt  }
0x68: {  	_ =	shalt  }
0x69: {  	_ =	shalt  }
0x6a: {  	_ =	shalt  }
0x6b: {  	_ =	shalt  }
0x6c: {  	_ =	shalt  }
0x6d: {  	_ =	shalt  }
0x6e: {  	_ =	shalt  }
0x6f: {  	_ =	shalt  }
0x70: {  	_ =	shalt  }
0x71: {  	_ =	shalt  }
0x72: {  	_ =	shalt  }
0x73: {  	_ =	shalt  }
0x74: {  	_ =	shalt  }
0x75: {  	_ =	shalt  }
0x76: {  	_ =	shalt  }
0x77: {  	_ =	shalt  }
0x78: {  	_ =	shalt  }
0x79: {  	_ =	shalt  }
0x7a: {  	_ =	shalt  }
0x7b: {  	_ =	shalt  }
0x7c: {  	_ =	shalt  }
0x7d: {  	_ =	shalt  }
0x7e: {  	_ =	shalt  }
0x7f: {  	_ =	shalt  }
0x80: {  	_ =	shalt  }
0x81: {  	_ =	shalt  }
0x82: {  	_ =	shalt  }
0x83: {  	_ =	shalt  }
0x84: {  	_ =	shalt  }
0x85: {  	_ =	shalt  }
0x86: {  	_ =	shalt  }
0x87: {  	_ =	shalt  }
.Lfunc_end0:
.L_simem_size_0:
called_computation.1_lowered:
.L_overlay_start_0:
0x88: {  	s2 =	sld [smem:$0x3FD9]  }
0x89: {  	s3 =	sld [smem:$0x3FFE];
	_ =	sdelay $0x1  }
0x8a: {  	s1 =	srdreg.scid  }
0x8b: {  	s0 =	sand.u32 $0x1, s1  }
0x8c: {  	s14 =	sshll.u32 s0, $0xA;
	s2 =	sadd.s32 s3, s2  }
0x8d: {  	s2 =	sadd.s32 s2, s14  }
0x8e: {  	[smem:$0x3FC2] =	sst s2  }
0x8f: {  	_ = 	snop  }
0x90: {  	s2 =	sld [smem:$0x3FD0];
	_ =	sdelay $0x2  }
0x91: {  	s15 =	simm.s32 $0xA;
	s4 =	simm.s32 $0x10  }
0x92: {  	[smem:s4], [sflag:s15] =	dma.local [hbm:s2], $0x1  }
0x93: {  	_ =	swait.eq [sflag:s15], $0x1  }
0x94: {  	[sflag:s15] =	ssyncset.done $0x0  }
0x95: {  	[sflag:s15] =	ssyncadd.s32 $0xFFFFFFFF  }
0x96: {  	s16 =	sld [smem:$0x11];
	(tm) =	ssettm $0x1  }
0x97: {  	s17 =	sld [smem:$0x3FFB];
	_ =	sdelay $0x3  }
0x98: {  	_ =	strace s17  }
0x99: {  	s3 =	sld [smem:$0x3FFC];
	_ =	sdelay $0x3  }
0x9a: {  	_ =	strace s3  }
0x9b: {  	s3 =	sld [smem:$0x3FFD];
	_ =	sdelay $0x3  }
0x9c: {  	_ =	strace s3  }
0x9d: {  	_ =	strace $0x8FFFFFFF  }
0x9e: {  	s18 =	sld [smem:$0x3FDB];
	_ =	sdelay $0x1  }
0x9f: {  	s19 =	simm.s32 $_scs_section_size  }
0xa0: {  	s5 =	simm.s32 $_size__tile_overlayer_lowered;
	s6 =	simm.s32 $_tile_overlayer_lowered  }
0xa1: {  	s22 =	simm.s32 $0x1BFF;
	s21 =	sshll.u32 s6, $0x1;
	s3 =	sadd.s32 s19, s18  }
0xa2: {  	s7 =	simm.s32 $0x0;
	s20 =	sshll.u32 s5, $0x1;
	s5 =	sadd.s32 s21, s3  }
0xa3: {  	[timem:s7], [sflag:s22] =	dma.local [hbm:s5], s20  }
0xa4: {  	_ =	swait.ge [sflag:s22], s20  }
0xa5: {  	s4 =	ssub.s32 $0x0, s20;
	[sflag:s22] =	ssyncset.done $0x0  }
0xa6: {  	[sflag:s22] =	ssyncadd.s32 s4;
	_ =	sdelay $0x1  }
0xa7: {  	s23 =	simm.s32 $0x1B8B  }
0xa8: {  	_ =	swait.ge [sflag:s23], $0x1  }
0xa9: {  	[sflag:s23] =	ssyncset.done $0x0  }
0xaa: {  	s25 =	simm.s32 $0x1B8E;
	s24 =	sld [smem:$0x3FFE];
	[sflag:s23] =	ssyncadd.s32 $0xFFFFFFFF  }
0xab: {  	s26 =	simm.s32 $execute0_lowered;
	[smem:$0x3FD2] =	sst s25  }
0xac: {  	s5 =	sshll.u32 s26, $0x1;
	_ =	strace $0x80000049;
	[dreg:$0x1] =	wrdreg $0xFFFFFFFF  }
0xad: {  	s28 =	simm.s32 $_size_execute0_lowered;
	s3 =	sadd.s32 s3, s5;
	[dreg:$0x0] =	wrdreg $0x0  }
0xae: {  	s5 =	sshll.u32 s28, $0x1;
	[dreg:$0x2] =	wrdreg s3  }
0xaf: {  	[dreg:$0x3] =	wrdreg s5  }
0xb0: {  	[dreg:$0x4] =	wrdreg $0xC0  }
0xb1: {  	_ =	task [dreg:s7], $0x5FFFF  }
0xb2: {  	[dreg:$0x1] =	wrdreg $0xFFFFFFFF  }
0xb3: {  	[dreg:$0x0] =	wrdreg $0x60  }
0xb4: {  	[dreg:$0x2] =	wrdreg s16  }
0xb5: {  	[dreg:$0x3] =	wrdreg s24  }
0xb6: {  	[dreg:$0x4] =	wrdreg $0x60000  }
0xb7: {  	[dreg:$0x5] =	wrdreg $0x9  }
0xb8: {  	_ =	task.clear_ibuf [dreg:s7], $0x6FFFF;
	_ =	strace $0x90000049  }
0xb9: {  	s29 =	simm.s32 $0x9;
	_ =	strace $0x8000004B  }
0xba: {  	_ =	swait.ge [sflag:s29], $0x1  }
0xbb: {  	[sflag:s29] =	ssyncadd.s32 $0xFFFFFFFF  }
0xbc: {  	_ =	strace $0x9000004B  }
0xbd: {  	_ =	sfence  }
0xbe: {  	s30 =	sld [smem:$0x0];
	_ =	sdelay $0x2  }
0xbf: {  	s31 =	sshll.u32 s1, $0xD;
	s1 =	sshrl.u32 s1, $0x2  }
0xc0: {  	s3 =	sand.u32 $0x4000, s31;
	s1 =	sadd.s32 s1, s30  }
0xc1: {  	s0 =	sor.u32 s3, s0;
	s1 =	sshll.u32 s1, $0x11  }
0xc2: {  	s0 =	sor.u32 s1, s0  }
0xc3: {  	s0 =	sadd.s32 $0x8F2B, s0  }
0xc4: {  	[sflag:s0] =	ssyncadd.remote.s32 $0x1  }
0xc5: {  	_ =	sfence.sel $0xFFFF  }
0xc6: {  	[dreg:$0x0] =	wrdreg $0xFFFFFFFF;
	(pc) =	sbr.abs _section_cstart, $3  }
0xc7: {  	[dreg:$0x1] =	wrdreg $0xFFFFFFFF  }
0xc8: {  	_ =	task.clear_ibuf [dreg:s7], $0x2FFFF;
	_ =	strace $0x9FFFFFFF  }
0xc9: {  	(tm) =	ssettm $0x7FFFFFFF  }
tec
execute0_lowered:
.L_overlay_start_1:
0x0: {  	(tag) =	ssettag $0x1  }
0x1: {  	s2 =	rddreg [dreg:$0x0]  }
0x2: {  	s5 =	rddreg [dreg:$0x1]  }
0x3: {  	s3 =	rddreg [dreg:$0x2];
	s4 =	srdreg.scid  }
0x4: {  	s1 =	stileid.u32;
	s0 =	rddreg [dreg:$0x3];
	s11 =	simm.s32 $0x3  }
0x5: {  	s12 =	simm.s32 $0x1400;
	s13 =	simm.s32 $0x80;
	s14 =	simm.s32 $0x2800  }
0x6: {  	s15 =	simm.s32 $0x1;
	s16 =	simm.s32 $0x3000;
	s17 =	simm.s32 $0x2  }
0x7: {  	s18 =	simm.s32 $0x1380;
	s19 =	simm.s32 $0x2700;
	s20 =	simm.s32 $0x2780  }
0x8: {  	s6 =	sand.u32 $0x1, s4;
	s7 =	smul.u32 $0x2800, s1;
	s4 =	simm.s32 $0x0  }
0x9: {  	s8 =	sshll.u32 s1, $0x1;
	s21 =	sshll.u32 s1, $0x6;
	s9 =	smul.u32 $0x28000, s6  }
0xa: {  	[smem:$0x7FF] =	sst s4;
	s8 =	sor.u32 s6, s8;
	s6 =	ssub.s32 $0x2, s6  }
0xb: {  	s21 =	sor.u32 $0x1C03, s21;
	s8 =	smul.u32 $0x280, s8;
	s9 =	sadd.s32 s7, s9  }
0xc: {  	_ =	strace $0x8000004A;
	s10 =	sshrl.u32 s6, $0x1;
	s9 =	sshrl.u32 s9, $0x3  }
0xd: {  	s10 =	ssub.s32 s6, s10;
	s8 =	sadd.s32 s8, s5;
	s9 =	sadd.s32 s9, s5  }
0xe: {  	s5 =	sadd.s32 s7, s3;
	s6 =	sadd.s32 $0x1400, s8;
	s7 =	sadd.s32 $0x6400, s8  }
0xf: {  	v0 =	vimm.f32 $0.0e+00;
	s8 =	sadd.s32 $0xB400, s9;
	s9 =	smax.u32 s10, $0x1;
	s10 =	simm.s32 $0x3800  }
.LBB2_1:
0x10: {  	s22 =	simm.s32 $0x40;
	s23 =	simm.s32 $0x0  }
.LBB2_2:
0x11: {  	p0 =	sne.s32 s22, $0x9FC0;
	[tilespmem:s23+$0x3800] =	vst v0;
	s23 =	smov.u32 s22;
	s22 =	sadd.s32 $0x40, s22  }
.Ltmp0:
0x12: {  	(pc) =	sbr.rel @p0 .LBB2_2-.Ltmp0, $2  }
0x13: {  	_ =	sdelay $0x2  }
0x14: {  	s23 =	sshra.s32 s23, $0x2  }
0x15: {  	[tilespmem:s23+$0x3800] =	vst v0  }
0x16: {  	[spmem:s5] =	stream.linear.scatter [tilespmem:s10], [sflag:$0x3], $0x2800, $0x38;
	[tilespmem:$0x8800] =	vst v63  }
0x17: {  	_ =	swait.ge [sflag:s11], $0x2800  }
0x18: {  	[sflag:s11] =	ssyncset.done $0x0  }
0x19: {  	s22 =	simm.s32 $0x0;
	[sflag:s11] =	ssyncadd.s32 $0xFFFFD800  }
0x1a: {  	[tilespmem:s22], [sflag:$0x3] =	stream.linear.gather [hbm4b:s6+s22], $0x1400, $0x38;
	[tilespmem:$0x8800] =	vst v63  }
0x1b: {  	_ =	swait.ge [sflag:s11], $0x1400  }
0x1c: {  	[sflag:s11] =	ssyncset.done $0x0  }
0x1d: {  	[sflag:s11] =	ssyncadd.s32 $0xFFFFEC00  }
0x1e: {  	[tilespmem:s12], [sflag:$0x3] =	stream.linear.gather [hbm4b:s7+s22], $0x1400, $0x38;
	[tilespmem:$0x8800] =	vst v63  }
0x1f: {  	_ =	swait.ge [sflag:s11], $0x1400  }
0x20: {  	[sflag:s11] =	ssyncset.done $0x0  }
0x21: {  	[sflag:s11] =	ssyncadd.s32 $0xFFFFEC00  }
0x22: {  	[bflag:$0x0] =	sbarrier.arrive $0xFFFF  }
0x23: {  	[tilespmem:s14], [sflag:$0x1] =	stream.indirect.gather [hbm4b:s2+s13], $0x10, s22, s13, $0xb8;
	[tilespmem:$0x8800] =	vst v63  }
0x24: {  	_ =	swait.ge [sflag:s15], $0x800  }
0x25: {  	[sflag:s15] =	ssyncset.done $0x0  }
0x26: {  	s28 =	simm.s32 $0x80;
	[sflag:s15] =	ssyncadd.s32 $0xFFFFF800  }
0x27: {  	[tilespmem:s16], [sflag:$0x2] =	stream.indirect.gather [hbm4b:s2+s13], $0x10, s28, s13, $0xb8;
	[tilespmem:$0x8800] =	vst v63  }
0x28: {  	s29 =	simm.s32 $0x1400  }
0x29: {  	[spmem:s3] =	stream.indirect.scatter.add.f32 [tilespmem:s14], [sflag:$0x3], $0x10, s29, s13, $0xb8;
	[tilespmem:$0x8800] =	vst v63  }
0x2a: {  	_ =	swait.ge [sflag:s11], $0x800  }
0x2b: {  	[sflag:s11] =	ssyncset.done $0x0  }
0x2c: {  	[sflag:s11] =	ssyncadd.s32 $0xFFFFF800  }
0x2d: {  	_ =	swait.ge [sflag:s17], $0x800  }
0x2e: {  	[sflag:s17] =	ssyncset.done $0x0  }
0x2f: {  	s30 =	simm.s32 $0x100;
	[sflag:s17] =	ssyncadd.s32 $0xFFFFF800  }
0x30: {  	[tilespmem:s14], [sflag:$0x1] =	stream.indirect.gather [hbm4b:s2+s13], $0x10, s30, s13, $0xb8;
	[tilespmem:$0x8800] =	vst v63  }
0x31: {  	s31 =	simm.s32 $0x1480  }
0x32: {  	[spmem:s3] =	stream.indirect.scatter.add.f32 [tilespmem:s16], [sflag:$0x3], $0x10, s31, s13, $0xb8;
	[tilespmem:$0x8800] =	vst v63  }
0x33: {  	_ =	swait.ge [sflag:s11], $0x800  }
0x34: {  	s22 =	simm.s32 $0x400;
	[sflag:s11] =	ssyncset.done $0x0  }
.LBB2_4:
0x35: {  	p0 =	sne.s32 s22, $0x4800  }
0x36: {  	[sflag:s11] =	ssyncadd.s32 $0xFFFFF800;
	s23 =	smov.u32 s22;
	s22 =	sadd.s32 $0x400, s22  }
0x37: {  	_ = 	snop  }
0x38: {  	_ =	swait.ge [sflag:s15], $0x800  }
0x39: {  	s23 =	sshra.s32 s23, $0x2;
	[sflag:s15] =	ssyncset.done $0x0  }
0x3a: {  	s24 =	sadd.s32 $0x80, s23;
	[sflag:s15] =	ssyncadd.s32 $0xFFFFF800  }
0x3b: {  	[tilespmem:s16], [sflag:$0x2] =	stream.indirect.gather [hbm4b:s2+s13], $0x10, s24, s13, $0xb8;
	[tilespmem:$0x8800] =	vst v63  }
0x3c: {  	s24 =	sadd.s32 $0x1400, s23  }
0x3d: {  	[spmem:s3] =	stream.indirect.scatter.add.f32 [tilespmem:s14], [sflag:$0x3], $0x10, s24, s13, $0xb8;
	[tilespmem:$0x8800] =	vst v63  }
0x3e: {  	_ =	swait.ge [sflag:s11], $0x800  }
0x3f: {  	[sflag:s11] =	ssyncset.done $0x0  }
0x40: {  	[sflag:s11] =	ssyncadd.s32 $0xFFFFF800  }
0x41: {  	_ =	swait.ge [sflag:s17], $0x800  }
0x42: {  	[sflag:s17] =	ssyncset.done $0x0  }
0x43: {  	s24 =	sadd.s32 $0x100, s23;
	[sflag:s17] =	ssyncadd.s32 $0xFFFFF800  }
0x44: {  	[tilespmem:s14], [sflag:$0x1] =	stream.indirect.gather [hbm4b:s2+s13], $0x10, s24, s13, $0xb8;
	[tilespmem:$0x8800] =	vst v63  }
.Ltmp1:
0x45: {  	_ = 	snop;
	(pc) =	sbr.rel @p0 .LBB2_4-.Ltmp1, $4  }
0x46: {  	s23 =	sadd.s32 $0x1480, s23  }
0x47: {  	[spmem:s3] =	stream.indirect.scatter.add.f32 [tilespmem:s16], [sflag:$0x3], $0x10, s23, s13, $0xb8;
	[tilespmem:$0x8800] =	vst v63  }
0x48: {  	_ =	swait.ge [sflag:s11], $0x800  }
0x49: {  	[sflag:s11] =	ssyncset.done $0x0  }
0x4a: {  	[sflag:s11] =	ssyncadd.s32 $0xFFFFF800  }
0x4b: {  	_ =	swait.ge [sflag:s15], $0x800  }
0x4c: {  	[sflag:s15] =	ssyncset.done $0x0  }
0x4d: {  	[sflag:s15] =	ssyncadd.s32 $0xFFFFF800  }
0x4e: {  	[tilespmem:s16], [sflag:$0x2] =	stream.indirect.gather [hbm4b:s2+s13], $0x10, s18, s13, $0xb8;
	[tilespmem:$0x8800] =	vst v63  }
0x4f: {  	_ = 	snop  }
0x50: {  	[spmem:s3] =	stream.indirect.scatter.add.f32 [tilespmem:s14], [sflag:$0x3], $0x10, s19, s13, $0xb8;
	[tilespmem:$0x8800] =	vst v63  }
0x51: {  	_ =	swait.ge [sflag:s11], $0x800  }
0x52: {  	[sflag:s11] =	ssyncset.done $0x0  }
0x53: {  	[sflag:s11] =	ssyncadd.s32 $0xFFFFF800  }
0x54: {  	_ =	swait.ge [sflag:s17], $0x800  }
0x55: {  	[sflag:s17] =	ssyncset.done $0x0  }
0x56: {  	[sflag:s17] =	ssyncadd.s32 $0xFFFFF800  }
0x57: {  	[spmem:s3] =	stream.indirect.scatter.add.f32 [tilespmem:s16], [sflag:$0x3], $0x10, s20, s13, $0xb8;
	[tilespmem:$0x8800] =	vst v63  }
0x58: {  	_ =	swait.ge [sflag:s11], $0x800  }
0x59: {  	s4 =	sadd.s32 $0x1, s4;
	[sflag:s11] =	ssyncset.done $0x0  }
0x5a: {  	p0 =	sne.s32 s4, s9;
	[sflag:s11] =	ssyncadd.s32 $0xFFFFF800  }
.Ltmp2:
0x5b: {  	s22 =	sshrl.u32 s5, $0x3;
	[bflag:$0x0] =	sbarrier.arrive $0xFFFF;
	(pc) =	sbr.rel @p0 .LBB2_1-.Ltmp2, $4  }
0x5c: {  	[hbm:s8], [sflag:s21] =	dma.local [spmem:s22], $0x500  }
0x5d: {  	_ =	swait.ge [sflag:s11], $0x500  }
0x5e: {  	[sflag:s11] =	ssyncset.done $0x0  }
0x5f: {  	[sflag:s11] =	ssyncadd.s32 $0xFFFFFB00  }
0x60: {  	_ =	sfence.sel $0x180000  }
0x61: {  	[bflag:$0x0] =	sbarrier.arrive $0xFFFF  }
0x62: {  	p0 =	sne.s32 s1, $0x0;
	_ =	strace $0x9000004A  }
0x63: {  	s0 =	sadd.s32 @!p0 $0x100000, s0;
	[bflag:$0x2] =	sbarrier.arrive $0xFFFF  }
0x64: {  	[sflag:s0] =	ssyncadd.tile.s32 @!p0 $0x1;
	_ =	shalt  }
.Lfunc_end2:
_tile_overlayer_lowered:
.L_overlay_start_2:
0x65: {  	(tag) =	ssettag $0x2  }
0x66: {  	s0 =	rddreg [dreg:$0x0];
	s2 =	stileid.u32  }
0x67: {  	s1 =	rddreg [dreg:$0x1];
	p0 =	sne.s32 s2, $0x0  }
0x68: {  	s3 =	rddreg [dreg:$0x2];
	[bflag:$0x3] =	sbarrier.arrive $0xFFFF;
	s2 =	simm.s32 @!p0 $0x1C03  }
0x69: {  	[timem:s3], [sflag:s2] =	dma.local @!p0 [hbm:s0], s1  }
0x6a: {  	s0 =	simm.s32 @!p0 $0x3  }
0x6b: {  	_ =	swait.ge @!p0 [sflag:s0], s1  }
0x6c: {  	s1 =	ssub.s32 @!p0 $0x0, s1;
	[sflag:s0] =	ssyncset.done @!p0 $0x0  }
0x6d: {  	[sflag:s0] =	ssyncadd.s32 @!p0 s1  }
0x6e: {  	[bflag:$0x3] =	sbarrier.arrive $0xFFFF  }
0x6f: {  	_ =	shalt  }

// kernel: kernel.16.cloned.1.call-start
scs
__scs_entry_jumppad:
0x0: {  	(pc) =	sbr.rel $0x88, $3  }
0x1: {  	(tag) =	ssettag $0x0;
	lr =	simm.s32 $0x1  }
0x2: {  	[smem:$0x3F9B] =	sst lr;
	_ =	strace $0xD0000000  }
0x3: {  	_ = 	snop  }
0x4: {  	_ = 	snop  }
0x5: {  	_ = 	snop  }
0x6: {  	_ = 	snop  }
0x7: {  	_ = 	snop  }
__scs_overlays_trampoline_lowered:
0x8: {  	[smem:$0x3FAA] =	sst s0  }
0x9: {  	[smem:$0x3FAB] =	sst s1  }
0xa: {  	[smem:$0x3FAC] =	sst s2  }
0xb: {  	[smem:$0x3FAD] =	sst s3  }
0xc: {  	[smem:$0x3FAE] =	sst s4  }
0xd: {  	[smem:$0x3FAF] =	sst s5  }
0xe: {  	[smem:$0x3FB0] =	sst s6  }
0xf: {  	[smem:$0x3FB1] =	sst s7  }
0x10: {  	[smem:$0x3FB2] =	sst s8  }
0x11: {  	[smem:$0x3FB3] =	sst s9;
	s0 =	simm.s32 @!p0 $0x0  }
0x12: {  	s1 =	sld [smem:$0x3F99];
	s0 =	simm.s32 @p0 $0x1  }
0x13: {  	[smem:$0x3FB4] =	sst s0;
	s0 =	simm.s32 @!p1 $0x0  }
0x14: {  	s2 =	sld [smem:$0x3F98];
	s0 =	simm.s32 @p1 $0x1  }
0x15: {  	[smem:$0x3FB5] =	sst s0;
	s0 =	simm.s32 @!p2 $0x0  }
0x16: {  	s3 =	sld [smem:$0x3FDB];
	s0 =	simm.s32 @p2 $0x1  }
0x17: {  	s4 =	simm.s32 $0x1BF5;
	[smem:$0x3FB7] =	sst s0  }
0x18: {  	s0 =	sld [smem:$0x3F9A];
	_ =	swait.ge [sflag:s4], $0x0  }
0x19: {  	s7 =	sld [smem:$0x3F9B]  }
0x1a: {  	s8 =	sadd.s32 $0xFFFFE003, lr  }
0x1b: {  	s9 =	sadd.s32 $0xFFFFFEF7, lr;
	s5 =	simm.s32 $0xFFFFFFFF;
	p2 =	slt.u32 s8, $0xFFFFF086  }
0x1c: {  	p1 =	slt.u32 s9, $0xF7A;
	s5 =	simm.s32 @!p2 $0x0  }
0x1d: {  	s5 =	simm.s32 @p1 $0x1;
	p0 =	seq.s32 s7, s2  }
0x1e: {  	s7 =	smul.u32 @!p0 $0xF7A, s2;
	p2 =	seq.s32 @!p0 s5, $0x0  }
0x1f: {  	s9 =	smul.u32 $0xF7A, s1;
	s8 =	simm.s32 @!p0 $0x1BF5;
	p2 =	por !p2, p0  }
0x20: {  	[sflag:s8] =	ssyncset.s32 @!p0 $0xFFFFF086;
	s6 =	sadd.s32 @!p0 s3, s7;
	s7 =	simm.s32 @!p0 $0x108  }
0x21: {  	s3 =	sadd.s32 s3, s9;
	s6 =	sadd.s32 @!p0 $0x88, s6;
	s7 =	simm.s32 @p2 $0x1082  }
0x22: {  	[simem:s7], [sflag:s8] =	dma.local @!p0 [hbm:s6], $0xF7A  }
0x23: {  	s9 =	sor.u32 $0xD0000000, s2;
	s6 =	simm.s32 $0x108;
	_ =	swait.ge @!p0 [sflag:s8], $0x0  }
0x24: {  	s3 =	sadd.s32 $0x88, s3;
	s6 =	simm.s32 @!p1 $0x1082;
	[sflag:s4] =	ssyncset.s32 $0xFFFFF086  }
0x25: {  	[simem:s6], [sflag:s4] =	dma.local [hbm:s3], $0xF7A  }
0x26: {  	[smem:$0x3F9B] =	sst s1;
	(tag) =	ssettag s2;
	_ =	strace s9  }
0x27: {  	s1 =	sld [smem:$0x3FAB]  }
0x28: {  	s2 =	sld [smem:$0x3FAC]  }
0x29: {  	s4 =	sld [smem:$0x3FAE]  }
0x2a: {  	p0 =	seq.s32 s5, $0x0;
	s5 =	sld [smem:$0x3FAF]  }
0x2b: {  	s6 =	sld [smem:$0x3FB0]  }
0x2c: {  	s7 =	sld [smem:$0x3FB1]  }
0x2d: {  	s3 =	simm.s32 $0x108;
	s8 =	sld [smem:$0x3FB2]  }
0x2e: {  	s3 =	simm.s32 @!p0 $0x1082;
	s9 =	sld [smem:$0x3FB3]  }
0x2f: {  	lr =	sadd.s32 s0, s3;
	s0 =	sld [smem:$0x3FAA]  }
0x30: {  	s3 =	sld [smem:$0x3FAD]  }
0x31: {  	[smem:$0x3FB6] =	sst s10  }
0x32: {  	s10 =	sld [smem:$0x3FB4];
	_ =	sdelay $0x3  }
0x33: {  	p0 =	seq.s32 s10, $0x1;
	s10 =	sld [smem:$0x3FB6];
	_ =	sdelay $0x3  }
0x34: {  	[smem:$0x3FB6] =	sst s10  }
0x35: {  	s10 =	sld [smem:$0x3FB5];
	_ =	sdelay $0x3  }
0x36: {  	p1 =	seq.s32 s10, $0x1;
	s10 =	sld [smem:$0x3FB6];
	_ =	sdelay $0x3  }
0x37: {  	[smem:$0x3FB6] =	sst s10  }
0x38: {  	s10 =	sld [smem:$0x3FB7]  }
0x39: {  	_ = 	snop;
	(pc) =	sbr.ind lr, $3  }
0x3a: {  	_ = 	snop  }
0x3b: {  	_ = 	snop  }
0x3c: {  	p2 =	seq.s32 s10, $0x1;
	s10 =	sld [smem:$0x3FB6]  }
0x3d: {  	_ =	shalt  }
0x3e: {  	_ =	shalt  }
0x3f: {  	_ =	shalt  }
0x40: {  	_ =	shalt  }
0x41: {  	_ =	shalt  }
0x42: {  	_ =	shalt  }
0x43: {  	_ =	shalt  }
0x44: {  	_ =	shalt  }
0x45: {  	_ =	shalt  }
0x46: {  	_ =	shalt  }
0x47: {  	_ =	shalt  }
0x48: {  	_ =	shalt  }
0x49: {  	_ =	shalt  }
0x4a: {  	_ =	shalt  }
0x4b: {  	_ =	shalt  }
0x4c: {  	_ =	shalt  }
0x4d: {  	_ =	shalt  }
0x4e: {  	_ =	shalt  }
0x4f: {  	_ =	shalt  }
0x50: {  	_ =	shalt  }
0x51: {  	_ =	shalt  }
0x52: {  	_ =	shalt  }
0x53: {  	_ =	shalt  }
0x54: {  	_ =	shalt  }
0x55: {  	_ =	shalt  }
0x56: {  	_ =	shalt  }
0x57: {  	_ =	shalt  }
0x58: {  	_ =	shalt  }
0x59: {  	_ =	shalt  }
0x5a: {  	_ =	shalt  }
0x5b: {  	_ =	shalt  }
0x5c: {  	_ =	shalt  }
0x5d: {  	_ =	shalt  }
0x5e: {  	_ =	shalt  }
0x5f: {  	_ =	shalt  }
0x60: {  	_ =	shalt  }
0x61: {  	_ =	shalt  }
0x62: {  	_ =	shalt  }
0x63: {  	_ =	shalt  }
0x64: {  	_ =	shalt  }
0x65: {  	_ =	shalt  }
0x66: {  	_ =	shalt  }
0x67: {  	_ =	shalt  }
0x68: {  	_ =	shalt  }
0x69: {  	_ =	shalt  }
0x6a: {  	_ =	shalt  }
0x6b: {  	_ =	shalt  }
0x6c: {  	_ =	shalt  }
0x6d: {  	_ =	shalt  }
0x6e: {  	_ =	shalt  }
0x6f: {  	_ =	shalt  }
0x70: {  	_ =	shalt  }
0x71: {  	_ =	shalt  }
0x72: {  	_ =	shalt  }
0x73: {  	_ =	shalt  }
0x74: {  	_ =	shalt  }
0x75: {  	_ =	shalt  }
0x76: {  	_ =	shalt  }
0x77: {  	_ =	shalt  }
0x78: {  	_ =	shalt  }
0x79: {  	_ =	shalt  }
0x7a: {  	_ =	shalt  }
0x7b: {  	_ =	shalt  }
0x7c: {  	_ =	shalt  }
0x7d: {  	_ =	shalt  }
0x7e: {  	_ =	shalt  }
0x7f: {  	_ =	shalt  }
0x80: {  	_ =	shalt  }
0x81: {  	_ =	shalt  }
0x82: {  	_ =	shalt  }
0x83: {  	_ =	shalt  }
0x84: {  	_ =	shalt  }
0x85: {  	_ =	shalt  }
0x86: {  	_ =	shalt  }
0x87: {  	_ =	shalt  }
.Lfunc_end0:
.L_simem_size_0:
called_computation.2_lowered:
.L_overlay_start_0:
0x88: {  	s2 =	sld [smem:$0x3FD9]  }
0x89: {  	s3 =	sld [smem:$0x3FFE];
	_ =	sdelay $0x1  }
0x8a: {  	s1 =	srdreg.scid  }
0x8b: {  	s0 =	sand.u32 $0x1, s1  }
0x8c: {  	s14 =	sshll.u32 s0, $0xA;
	s2 =	sadd.s32 s3, s2  }
0x8d: {  	s2 =	sadd.s32 s2, s14  }
0x8e: {  	[smem:$0x3FC2] =	sst s2  }
0x8f: {  	_ = 	snop  }
0x90: {  	s2 =	sld [smem:$0x3FD0];
	_ =	sdelay $0x2  }
0x91: {  	s15 =	simm.s32 $0xA;
	s4 =	simm.s32 $0x10  }
0x92: {  	[smem:s4], [sflag:s15] =	dma.local [hbm:s2], $0x1  }
0x93: {  	_ =	swait.eq [sflag:s15], $0x1  }
0x94: {  	[sflag:s15] =	ssyncset.done $0x0  }
0x95: {  	[sflag:s15] =	ssyncadd.s32 $0xFFFFFFFF  }
0x96: {  	s16 =	sld [smem:$0x11];
	(tm) =	ssettm $0x1  }
0x97: {  	s17 =	sld [smem:$0x3FFB];
	_ =	sdelay $0x3  }
0x98: {  	_ =	strace s17  }
0x99: {  	s3 =	sld [smem:$0x3FFC];
	_ =	sdelay $0x3  }
0x9a: {  	_ =	strace s3  }
0x9b: {  	s3 =	sld [smem:$0x3FFD];
	_ =	sdelay $0x3  }
0x9c: {  	_ =	strace s3  }
0x9d: {  	_ =	strace $0x8FFFFFFF  }
0x9e: {  	s18 =	sld [smem:$0x3FDB];
	_ =	sdelay $0x1  }
0x9f: {  	s19 =	simm.s32 $_scs_section_size  }
0xa0: {  	s5 =	simm.s32 $_size__tile_overlayer_lowered;
	s6 =	simm.s32 $_tile_overlayer_lowered  }
0xa1: {  	s22 =	simm.s32 $0x1BFF;
	s21 =	sshll.u32 s6, $0x1;
	s3 =	sadd.s32 s19, s18  }
0xa2: {  	s7 =	simm.s32 $0x0;
	s20 =	sshll.u32 s5, $0x1;
	s5 =	sadd.s32 s21, s3  }
0xa3: {  	[timem:s7], [sflag:s22] =	dma.local [hbm:s5], s20  }
0xa4: {  	_ =	swait.ge [sflag:s22], s20  }
0xa5: {  	s4 =	ssub.s32 $0x0, s20;
	[sflag:s22] =	ssyncset.done $0x0  }
0xa6: {  	[sflag:s22] =	ssyncadd.s32 s4;
	_ =	sdelay $0x1  }
0xa7: {  	s23 =	simm.s32 $0x1B8B  }
0xa8: {  	_ =	swait.ge [sflag:s23], $0x1  }
0xa9: {  	[sflag:s23] =	ssyncset.done $0x0  }
0xaa: {  	s25 =	simm.s32 $0x1B8E;
	s24 =	sld [smem:$0x3FFE];
	[sflag:s23] =	ssyncadd.s32 $0xFFFFFFFF  }
0xab: {  	s26 =	simm.s32 $execute0_lowered;
	[smem:$0x3FD2] =	sst s25  }
0xac: {  	s5 =	sshll.u32 s26, $0x1;
	_ =	strace $0x8000004C;
	[dreg:$0x1] =	wrdreg $0xFFFFFFFF  }
0xad: {  	s28 =	simm.s32 $_size_execute0_lowered;
	s3 =	sadd.s32 s3, s5;
	[dreg:$0x0] =	wrdreg $0x0  }
0xae: {  	s5 =	sshll.u32 s28, $0x1;
	[dreg:$0x2] =	wrdreg s3  }
0xaf: {  	[dreg:$0x3] =	wrdreg s5  }
0xb0: {  	[dreg:$0x4] =	wrdreg $0xC0  }
0xb1: {  	_ =	task [dreg:s7], $0x5FFFF  }
0xb2: {  	[dreg:$0x1] =	wrdreg $0xFFFFFFFF  }
0xb3: {  	[dreg:$0x0] =	wrdreg $0x60  }
0xb4: {  	[dreg:$0x2] =	wrdreg s16  }
0xb5: {  	[dreg:$0x3] =	wrdreg s24  }
0xb6: {  	[dreg:$0x4] =	wrdreg $0x60000  }
0xb7: {  	[dreg:$0x5] =	wrdreg $0x9  }
0xb8: {  	_ =	task.clear_ibuf [dreg:s7], $0x6FFFF;
	_ =	strace $0x9000004C  }
0xb9: {  	s29 =	simm.s32 $0x9;
	_ =	strace $0x8000004E  }
0xba: {  	_ =	swait.ge [sflag:s29], $0x1  }
0xbb: {  	[sflag:s29] =	ssyncadd.s32 $0xFFFFFFFF  }
0xbc: {  	_ =	strace $0x9000004E  }
0xbd: {  	_ =	sfence  }
0xbe: {  	s30 =	sld [smem:$0x0];
	_ =	sdelay $0x2  }
0xbf: {  	s31 =	sshll.u32 s1, $0xD;
	s1 =	sshrl.u32 s1, $0x2  }
0xc0: {  	s3 =	sand.u32 $0x4000, s31;
	s1 =	sadd.s32 s1, s30  }
0xc1: {  	s0 =	sor.u32 s3, s0;
	s1 =	sshll.u32 s1, $0x11  }
0xc2: {  	s0 =	sor.u32 s1, s0  }
0xc3: {  	s0 =	sadd.s32 $0x8F2B, s0  }
0xc4: {  	[sflag:s0] =	ssyncadd.remote.s32 $0x1  }
0xc5: {  	_ =	sfence.sel $0xFFFF  }
0xc6: {  	[dreg:$0x0] =	wrdreg $0xFFFFFFFF;
	(pc) =	sbr.abs _section_cstart, $3  }
0xc7: {  	[dreg:$0x1] =	wrdreg $0xFFFFFFFF  }
0xc8: {  	_ =	task.clear_ibuf [dreg:s7], $0x2FFFF;
	_ =	strace $0x9FFFFFFF  }
0xc9: {  	(tm) =	ssettm $0x7FFFFFFF  }
tec
execute0_lowered:
.L_overlay_start_1:
0x0: {  	(tag) =	ssettag $0x1  }
0x1: {  	s2 =	rddreg [dreg:$0x0]  }
0x2: {  	s5 =	rddreg [dreg:$0x1]  }
0x3: {  	s3 =	rddreg [dreg:$0x2];
	s4 =	srdreg.scid  }
0x4: {  	s1 =	stileid.u32;
	s0 =	rddreg [dreg:$0x3];
	s11 =	simm.s32 $0x3  }
0x5: {  	s12 =	simm.s32 $0x1400;
	s13 =	simm.s32 $0x80;
	s14 =	simm.s32 $0x2800  }
0x6: {  	s15 =	simm.s32 $0x1;
	s16 =	simm.s32 $0x3000;
	s17 =	simm.s32 $0x2  }
0x7: {  	s18 =	simm.s32 $0x1380;
	s19 =	simm.s32 $0x2700;
	s20 =	simm.s32 $0x2780  }
0x8: {  	s6 =	sand.u32 $0x1, s4;
	s7 =	smul.u32 $0x2800, s1;
	s4 =	simm.s32 $0x0  }
0x9: {  	s8 =	sshll.u32 s1, $0x1;
	s21 =	sshll.u32 s1, $0x6;
	s9 =	smul.u32 $0x28000, s6  }
0xa: {  	[smem:$0x7FF] =	sst s4;
	s8 =	sor.u32 s6, s8;
	s6 =	ssub.s32 $0x2, s6  }
0xb: {  	s21 =	sor.u32 $0x1C03, s21;
	s8 =	smul.u32 $0x280, s8;
	s9 =	sadd.s32 s7, s9  }
0xc: {  	_ =	strace $0x8000004D;
	s10 =	sshrl.u32 s6, $0x1;
	s9 =	sshrl.u32 s9, $0x3  }
0xd: {  	s10 =	ssub.s32 s6, s10;
	s8 =	sadd.s32 s8, s5;
	s9 =	sadd.s32 s9, s5  }
0xe: {  	s5 =	sadd.s32 s7, s3;
	s6 =	sadd.s32 $0x1400, s8;
	s7 =	sadd.s32 $0x6400, s8  }
0xf: {  	v0 =	vimm.f32 $0.0e+00;
	s8 =	sadd.s32 $0xB400, s9;
	s9 =	smax.u32 s10, $0x1;
	s10 =	simm.s32 $0x3800  }
.LBB2_1:
0x10: {  	s22 =	simm.s32 $0x40;
	s23 =	simm.s32 $0x0  }
.LBB2_2:
0x11: {  	p0 =	sne.s32 s22, $0x9FC0;
	[tilespmem:s23+$0x3800] =	vst v0;
	s23 =	smov.u32 s22;
	s22 =	sadd.s32 $0x40, s22  }
.Ltmp0:
0x12: {  	(pc) =	sbr.rel @p0 .LBB2_2-.Ltmp0, $2  }
0x13: {  	_ =	sdelay $0x2  }
0x14: {  	s23 =	sshra.s32 s23, $0x2  }
0x15: {  	[tilespmem:s23+$0x3800] =	vst v0  }
0x16: {  	[spmem:s5] =	stream.linear.scatter [tilespmem:s10], [sflag:$0x3], $0x2800, $0x38;
	[tilespmem:$0x8800] =	vst v63  }
0x17: {  	_ =	swait.ge [sflag:s11], $0x2800  }
0x18: {  	[sflag:s11] =	ssyncset.done $0x0  }
0x19: {  	s22 =	simm.s32 $0x0;
	[sflag:s11] =	ssyncadd.s32 $0xFFFFD800  }
0x1a: {  	[tilespmem:s22], [sflag:$0x3] =	stream.linear.gather [hbm4b:s6+s22], $0x1400, $0x38;
	[tilespmem:$0x8800] =	vst v63  }
0x1b: {  	_ =	swait.ge [sflag:s11], $0x1400  }
0x1c: {  	[sflag:s11] =	ssyncset.done $0x0  }
0x1d: {  	[sflag:s11] =	ssyncadd.s32 $0xFFFFEC00  }
0x1e: {  	[tilespmem:s12], [sflag:$0x3] =	stream.linear.gather [hbm4b:s7+s22], $0x1400, $0x38;
	[tilespmem:$0x8800] =	vst v63  }
0x1f: {  	_ =	swait.ge [sflag:s11], $0x1400  }
0x20: {  	[sflag:s11] =	ssyncset.done $0x0  }
0x21: {  	[sflag:s11] =	ssyncadd.s32 $0xFFFFEC00  }
0x22: {  	[bflag:$0x0] =	sbarrier.arrive $0xFFFF  }
0x23: {  	[tilespmem:s14], [sflag:$0x1] =	stream.indirect.gather [hbm4b:s2+s13], $0x10, s22, s13, $0xb8;
	[tilespmem:$0x8800] =	vst v63  }
0x24: {  	_ =	swait.ge [sflag:s15], $0x800  }
0x25: {  	[sflag:s15] =	ssyncset.done $0x0  }
0x26: {  	s28 =	simm.s32 $0x80;
	[sflag:s15] =	ssyncadd.s32 $0xFFFFF800  }
0x27: {  	[tilespmem:s16], [sflag:$0x2] =	stream.indirect.gather [hbm4b:s2+s13], $0x10, s28, s13, $0xb8;
	[tilespmem:$0x8800] =	vst v63  }
0x28: {  	s29 =	simm.s32 $0x1400  }
0x29: {  	[spmem:s3] =	stream.indirect.scatter.add.f32 [tilespmem:s14], [sflag:$0x3], $0x10, s29, s13, $0xb8;
	[tilespmem:$0x8800] =	vst v63  }
0x2a: {  	_ =	swait.ge [sflag:s11], $0x800  }
0x2b: {  	[sflag:s11] =	ssyncset.done $0x0  }
0x2c: {  	[sflag:s11] =	ssyncadd.s32 $0xFFFFF800  }
0x2d: {  	_ =	swait.ge [sflag:s17], $0x800  }
0x2e: {  	[sflag:s17] =	ssyncset.done $0x0  }
0x2f: {  	s30 =	simm.s32 $0x100;
	[sflag:s17] =	ssyncadd.s32 $0xFFFFF800  }
0x30: {  	[tilespmem:s14], [sflag:$0x1] =	stream.indirect.gather [hbm4b:s2+s13], $0x10, s30, s13, $0xb8;
	[tilespmem:$0x8800] =	vst v63  }
0x31: {  	s31 =	simm.s32 $0x1480  }
0x32: {  	[spmem:s3] =	stream.indirect.scatter.add.f32 [tilespmem:s16], [sflag:$0x3], $0x10, s31, s13, $0xb8;
	[tilespmem:$0x8800] =	vst v63  }
0x33: {  	_ =	swait.ge [sflag:s11], $0x800  }
0x34: {  	s22 =	simm.s32 $0x400;
	[sflag:s11] =	ssyncset.done $0x0  }
.LBB2_4:
0x35: {  	p0 =	sne.s32 s22, $0x4800  }
0x36: {  	[sflag:s11] =	ssyncadd.s32 $0xFFFFF800;
	s23 =	smov.u32 s22;
	s22 =	sadd.s32 $0x400, s22  }
0x37: {  	_ = 	snop  }
0x38: {  	_ =	swait.ge [sflag:s15], $0x800  }
0x39: {  	s23 =	sshra.s32 s23, $0x2;
	[sflag:s15] =	ssyncset.done $0x0  }
0x3a: {  	s24 =	sadd.s32 $0x80, s23;
	[sflag:s15] =	ssyncadd.s32 $0xFFFFF800  }
0x3b: {  	[tilespmem:s16], [sflag:$0x2] =	stream.indirect.gather [hbm4b:s2+s13], $0x10, s24, s13, $0xb8;
	[tilespmem:$0x8800] =	vst v63  }
0x3c: {  	s24 =	sadd.s32 $0x1400, s23  }
0x3d: {  	[spmem:s3] =	stream.indirect.scatter.add.f32 [tilespmem:s14], [sflag:$0x3], $0x10, s24, s13, $0xb8;
	[tilespmem:$0x8800] =	vst v63  }
0x3e: {  	_ =	swait.ge [sflag:s11], $0x800  }
0x3f: {  	[sflag:s11] =	ssyncset.done $0x0  }
0x40: {  	[sflag:s11] =	ssyncadd.s32 $0xFFFFF800  }
0x41: {  	_ =	swait.ge [sflag:s17], $0x800  }
0x42: {  	[sflag:s17] =	ssyncset.done $0x0  }
0x43: {  	s24 =	sadd.s32 $0x100, s23;
	[sflag:s17] =	ssyncadd.s32 $0xFFFFF800  }
0x44: {  	[tilespmem:s14], [sflag:$0x1] =	stream.indirect.gather [hbm4b:s2+s13], $0x10, s24, s13, $0xb8;
	[tilespmem:$0x8800] =	vst v63  }
.Ltmp1:
0x45: {  	_ = 	snop;
	(pc) =	sbr.rel @p0 .LBB2_4-.Ltmp1, $4  }
0x46: {  	s23 =	sadd.s32 $0x1480, s23  }
0x47: {  	[spmem:s3] =	stream.indirect.scatter.add.f32 [tilespmem:s16], [sflag:$0x3], $0x10, s23, s13, $0xb8;
	[tilespmem:$0x8800] =	vst v63  }
0x48: {  	_ =	swait.ge [sflag:s11], $0x800  }
0x49: {  	[sflag:s11] =	ssyncset.done $0x0  }
0x4a: {  	[sflag:s11] =	ssyncadd.s32 $0xFFFFF800  }
0x4b: {  	_ =	swait.ge [sflag:s15], $0x800  }
0x4c: {  	[sflag:s15] =	ssyncset.done $0x0  }
0x4d: {  	[sflag:s15] =	ssyncadd.s32 $0xFFFFF800  }
0x4e: {  	[tilespmem:s16], [sflag:$0x2] =	stream.indirect.gather [hbm4b:s2+s13], $0x10, s18, s13, $0xb8;
	[tilespmem:$0x8800] =	vst v63  }
0x4f: {  	_ = 	snop  }
0x50: {  	[spmem:s3] =	stream.indirect.scatter.add.f32 [tilespmem:s14], [sflag:$0x3], $0x10, s19, s13, $0xb8;
	[tilespmem:$0x8800] =	vst v63  }
0x51: {  	_ =	swait.ge [sflag:s11], $0x800  }
0x52: {  	[sflag:s11] =	ssyncset.done $0x0  }
0x53: {  	[sflag:s11] =	ssyncadd.s32 $0xFFFFF800  }
0x54: {  	_ =	swait.ge [sflag:s17], $0x800  }
0x55: {  	[sflag:s17] =	ssyncset.done $0x0  }
0x56: {  	[sflag:s17] =	ssyncadd.s32 $0xFFFFF800  }
0x57: {  	[spmem:s3] =	stream.indirect.scatter.add.f32 [tilespmem:s16], [sflag:$0x3], $0x10, s20, s13, $0xb8;
	[tilespmem:$0x8800] =	vst v63  }
0x58: {  	_ =	swait.ge [sflag:s11], $0x800  }
0x59: {  	s4 =	sadd.s32 $0x1, s4;
	[sflag:s11] =	ssyncset.done $0x0  }
0x5a: {  	p0 =	sne.s32 s4, s9;
	[sflag:s11] =	ssyncadd.s32 $0xFFFFF800  }
.Ltmp2:
0x5b: {  	s22 =	sshrl.u32 s5, $0x3;
	[bflag:$0x0] =	sbarrier.arrive $0xFFFF;
	(pc) =	sbr.rel @p0 .LBB2_1-.Ltmp2, $4  }
0x5c: {  	[hbm:s8], [sflag:s21] =	dma.local [spmem:s22], $0x500  }
0x5d: {  	_ =	swait.ge [sflag:s11], $0x500  }
0x5e: {  	[sflag:s11] =	ssyncset.done $0x0  }
0x5f: {  	[sflag:s11] =	ssyncadd.s32 $0xFFFFFB00  }
0x60: {  	_ =	sfence.sel $0x180000  }
0x61: {  	[bflag:$0x0] =	sbarrier.arrive $0xFFFF  }
0x62: {  	p0 =	sne.s32 s1, $0x0;
	_ =	strace $0x9000004D  }
0x63: {  	s0 =	sadd.s32 @!p0 $0x100000, s0;
	[bflag:$0x2] =	sbarrier.arrive $0xFFFF  }
0x64: {  	[sflag:s0] =	ssyncadd.tile.s32 @!p0 $0x1;
	_ =	shalt  }
.Lfunc_end2:
_tile_overlayer_lowered:
.L_overlay_start_2:
0x65: {  	(tag) =	ssettag $0x2  }
0x66: {  	s0 =	rddreg [dreg:$0x0];
	s2 =	stileid.u32  }
0x67: {  	s1 =	rddreg [dreg:$0x1];
	p0 =	sne.s32 s2, $0x0  }
0x68: {  	s3 =	rddreg [dreg:$0x2];
	[bflag:$0x3] =	sbarrier.arrive $0xFFFF;
	s2 =	simm.s32 @!p0 $0x1C03  }
0x69: {  	[timem:s3], [sflag:s2] =	dma.local @!p0 [hbm:s0], s1  }
0x6a: {  	s0 =	simm.s32 @!p0 $0x3  }
0x6b: {  	_ =	swait.ge @!p0 [sflag:s0], s1  }
0x6c: {  	s1 =	ssub.s32 @!p0 $0x0, s1;
	[sflag:s0] =	ssyncset.done @!p0 $0x0  }
0x6d: {  	[sflag:s0] =	ssyncadd.s32 @!p0 s1  }
0x6e: {  	[bflag:$0x3] =	sbarrier.arrive $0xFFFF  }
0x6f: {  	_ =	shalt  }

</sc_bundles>
